<compile_context>
chip_gen: v7x
topology: tpu7x:2x2x1
jax: 0.10.2.dev20260603
libtpu: 0.0.44.dev20260713+nightly
codegen_flags: <defaults>
</compile_context>

<pallas_src>
import jax
import jax.numpy as jnp
from jax import lax
from jax.experimental import pallas as pl
from jax.experimental.pallas import tpu as pltpu
from jax.experimental.pallas import tpu_sc as plsc

N_NODES = 10000
N_NODES_P = 10240
N_EDGES = 320000
D_FEAT = 128
D_EDGE = 16
HP = 16
N_GRAPHS = 64

NC = 2
NS = 16
NW = NC * NS
CHUNK = 128
NCHTOT = N_EDGES // CHUNK
NCHUNK = NCHTOT // NW
NEXTRA = NCHTOT - NCHUNK * NW
SUPER = 6
NSUP = NCHUNK // SUPER
ROWS_PER_TILE = N_NODES_P // NS


def _pad2(w, r, c):
    return jnp.pad(w, ((0, r - w.shape[0]), (0, c - w.shape[1])))


def _proj_nodes_body(a_ref, w_ref, b_ref, o_ref):
    o_ref[...] = (
        jnp.dot(a_ref[...], w_ref[...], preferred_element_type=jnp.float32)
        + b_ref[...]
    )


def _proj_nodes(node_attr, w_pad, b_pad):
    blk = N_NODES // 10
    return pl.pallas_call(
        _proj_nodes_body,
        grid=(10,),
        in_specs=[
            pl.BlockSpec((blk, D_FEAT), lambda i: (i, 0)),
            pl.BlockSpec((D_FEAT, HP), lambda i: (0, 0)),
            pl.BlockSpec((1, HP), lambda i: (0, 0)),
        ],
        out_specs=pl.BlockSpec((blk, HP), lambda i: (i, 0)),
        out_shape=jax.ShapeDtypeStruct((N_NODES, HP), jnp.float32),
    )(node_attr, w_pad, b_pad)


def _proj_edges_t_body(w_ref, a_ref, o_ref):
    o_ref[...] = jnp.dot(w_ref[...], a_ref[...], preferred_element_type=jnp.float32)


def _proj_edges_t(we_t, ea_t):
    nblk = 10
    blk = N_EDGES // nblk
    return pl.pallas_call(
        _proj_edges_t_body,
        grid=(nblk,),
        in_specs=[
            pl.BlockSpec((HP, D_EDGE), lambda i: (0, 0)),
            pl.BlockSpec((D_EDGE, blk), lambda i: (0, i)),
        ],
        out_specs=pl.BlockSpec((HP, blk), lambda i: (0, i)),
        out_shape=jax.ShapeDtypeStruct((HP, N_EDGES), jnp.float32),
    )(we_t, ea_t)


def _sc_body(p_hbm, ea_hbm, src_hbm, dst_hbm, outp_hbm, outs_hbm,
             src_v, dst_v, ea_buf, p_buf, stage_v, p_sh, agg_sh, s_sh,
             lsem, gsem, ssem):
    c = lax.axis_index("c")
    s = lax.axis_index("s")
    wid = s * NC + c

    def zrow(i, carry):
        stage_v[i, :] = jnp.zeros((HP,), jnp.float32)
        return carry
    lax.fori_loop(0, ROWS_PER_TILE, zrow, 0)
    pltpu.sync_copy(stage_v, agg_sh.at[pl.ds(s * ROWS_PER_TILE, ROWS_PER_TILE)])
    pltpu.sync_copy(stage_v, s_sh.at[pl.ds(s * ROWS_PER_TILE, ROWS_PER_TILE)])

    @pl.when(s < NS - 1)
    def _():
        pltpu.sync_copy(p_hbm.at[pl.ds(s * ROWS_PER_TILE, ROWS_PER_TILE)], stage_v)

    @pl.when(s == NS - 1)
    def _():
        pltpu.sync_copy(p_hbm.at[pl.ds((NS - 1) * ROWS_PER_TILE,
                                       N_NODES - (NS - 1) * ROWS_PER_TILE)],
                        stage_v.at[pl.ds(0, N_NODES - (NS - 1) * ROWS_PER_TILE)])

    pltpu.sync_copy(stage_v, p_sh.at[pl.ds(s * ROWS_PER_TILE, ROWS_PER_TILE)])
    plsc.subcore_barrier()

    pltpu.sync_copy(src_hbm.at[pl.ds(wid * NCHUNK, NCHUNK)],
                    src_v.at[pl.ds(0, NCHUNK)])
    pltpu.sync_copy(dst_hbm.at[pl.ds(wid * NCHUNK, NCHUNK)],
                    dst_v.at[pl.ds(0, NCHUNK)])

    @pl.when(wid < NEXTRA)
    def _():
        pltpu.sync_copy(src_hbm.at[pl.ds(NCHUNK * NW + wid, 1)],
                        src_v.at[pl.ds(NCHUNK, 1)])
        pltpu.sync_copy(dst_hbm.at[pl.ds(NCHUNK * NW + wid, 1)],
                        dst_v.at[pl.ds(NCHUNK, 1)])

    def superchunk(u, carry):
        loads = []
        for b in range(SUPER):
            j = u * SUPER + b
            ch = wid * NCHUNK + j
            loads.append(pltpu.async_copy(
                ea_hbm.at[pl.ds(ch * CHUNK, CHUNK)], ea_buf.at[b], lsem))
            loads.append(pltpu.async_copy(
                p_sh.at[src_v.at[j]], p_buf.at[b], gsem))
        for d in loads:
            d.wait()
        scats = []
        for b in range(SUPER):
            j = u * SUPER + b
            scats.append(pltpu.async_copy(
                ea_buf.at[b], s_sh.at[dst_v.at[j]], ssem, add=True))
            scats.append(pltpu.async_copy(
                p_buf.at[b], agg_sh.at[dst_v.at[j]], ssem, add=True))
        for d in scats:
            d.wait()
        return carry
    lax.fori_loop(0, NSUP, superchunk, 0)

    @pl.when(wid < NEXTRA)
    def _():
        ch = NCHUNK * NW + wid
        dl = pltpu.async_copy(ea_hbm.at[pl.ds(ch * CHUNK, CHUNK)],
                              ea_buf.at[0], lsem)
        dg = pltpu.async_copy(p_sh.at[src_v.at[NCHUNK]], p_buf.at[0], gsem)
        dl.wait()
        dg.wait()
        pltpu.async_copy(ea_buf.at[0], s_sh.at[dst_v.at[NCHUNK]],
                         ssem, add=True).wait()
        pltpu.async_copy(p_buf.at[0], agg_sh.at[dst_v.at[NCHUNK]],
                         ssem, add=True).wait()

    plsc.subcore_barrier()
    pltpu.sync_copy(agg_sh.at[pl.ds(s * ROWS_PER_TILE, ROWS_PER_TILE)], stage_v)
    pltpu.sync_copy(stage_v, outp_hbm.at[c, pl.ds(s * ROWS_PER_TILE, ROWS_PER_TILE)])
    pltpu.sync_copy(s_sh.at[pl.ds(s * ROWS_PER_TILE, ROWS_PER_TILE)], stage_v)
    pltpu.sync_copy(stage_v, outs_hbm.at[c, pl.ds(s * ROWS_PER_TILE, ROWS_PER_TILE)])


def _sc_aggregate(p_tab, ea3d, src3d, dst3d):
    mesh = plsc.VectorSubcoreMesh(core_axis_name="c", subcore_axis_name="s")
    return pl.kernel(
        _sc_body,
        out_type=(
            jax.ShapeDtypeStruct((NC, N_NODES_P, HP), jnp.float32),
            jax.ShapeDtypeStruct((NC, N_NODES_P, HP), jnp.float32),
        ),
        mesh=mesh,
        compiler_params=pltpu.CompilerParams(use_tc_tiling_on_sc=False),
        scratch_types=[
            pltpu.VMEM((NCHUNK + 1, CHUNK), jnp.int32),
            pltpu.VMEM((NCHUNK + 1, CHUNK), jnp.int32),
            pltpu.VMEM((SUPER, CHUNK, HP), jnp.float32),
            pltpu.VMEM((SUPER, CHUNK, HP), jnp.float32),
            pltpu.VMEM((ROWS_PER_TILE, HP), jnp.float32),
            pltpu.VMEM_SHARED((N_NODES_P, HP), jnp.float32),
            pltpu.VMEM_SHARED((N_NODES_P, HP), jnp.float32),
            pltpu.VMEM_SHARED((N_NODES_P, HP), jnp.float32),
            pltpu.SemaphoreType.DMA,
            pltpu.SemaphoreType.DMA,
            pltpu.SemaphoreType.DMA,
        ],
    )(p_tab, ea3d, src3d, dst3d)


def _head_body(partp_ref, parts_ref, batch_ref, l1_ref, b1_ref,
               l2_ref, b2_ref, l3_ref, b3_ref, l4_ref, b4_ref, o_ref):
    agg = partp_ref[0] + partp_ref[1] + parts_ref[0] + parts_ref[1]
    x = jax.nn.relu(agg)
    x = jax.nn.relu(jnp.dot(x, l1_ref[...], preferred_element_type=jnp.float32) + b1_ref[...])
    x = jax.nn.relu(jnp.dot(x, l2_ref[...], preferred_element_type=jnp.float32) + b2_ref[...])
    gids = lax.broadcasted_iota(jnp.int32, (N_GRAPHS, N_NODES_P), 0)
    onehot = (gids == batch_ref[...]).astype(jnp.float32)
    pool = jnp.dot(onehot, x, preferred_element_type=jnp.float32,
                   precision=lax.Precision.HIGHEST)
    y = jax.nn.relu(jnp.dot(pool, l3_ref[...], preferred_element_type=jnp.float32) + b3_ref[...])
    o_ref[...] = jnp.dot(y, l4_ref[...], preferred_element_type=jnp.float32) + b4_ref[...]


def _head(partp, parts, batch2d, l1, b1, l2, b2, l3, b3, l4, b4):
    return pl.pallas_call(
        _head_body,
        out_shape=jax.ShapeDtypeStruct((N_GRAPHS, HP), jnp.float32),
    )(partp, parts, batch2d, l1, b1, l2, b2, l3, b3, l4, b4)


def kernel(node_attr, edge_attr, W_msg, W_edge, b_msg, lin1_w, lin1_b,
           lin2_w, lin2_b, lin3_w, lin3_b, lin4_w, lin4_b, edge_index, batch):
    src2d = edge_index[0].astype(jnp.int32).reshape(NCHTOT, CHUNK)
    dst2d = edge_index[1].astype(jnp.int32).reshape(NCHTOT, CHUNK)
    batch2d = jnp.pad(batch.astype(jnp.int32), (0, N_NODES_P - N_NODES),
                      constant_values=N_GRAPHS).reshape(1, N_NODES_P)

    wm = _pad2(W_msg, D_FEAT, HP)
    we = _pad2(W_edge, D_EDGE, HP)
    bm = jnp.pad(b_msg, (0, HP - b_msg.shape[0])).reshape(1, HP)
    l1 = _pad2(lin1_w, HP, HP)
    b1 = jnp.pad(lin1_b, (0, HP - lin1_b.shape[0])).reshape(1, HP)
    l2 = _pad2(lin2_w, HP, HP)
    b2 = jnp.pad(lin2_b, (0, HP - lin2_b.shape[0])).reshape(1, HP)
    l3 = _pad2(lin3_w, HP, HP)
    b3 = jnp.pad(lin3_b, (0, HP - lin3_b.shape[0])).reshape(1, HP)
    l4 = _pad2(lin4_w, HP, HP)
    b4 = jnp.pad(lin4_b, (0, HP - lin4_b.shape[0])).reshape(1, HP)

    p_tab = _proj_nodes(node_attr, wm, bm)
    ew_t = _proj_edges_t(we.T, edge_attr.T)
    ew = ew_t.T
    partp, parts = _sc_aggregate(p_tab, ew, src2d, dst2d)
    out = _head(partp, parts, batch2d, l1, b1, l2, b2, l3, b3, l4, b4)
    return out[:, :1]

# --- scband reference (transcript-rebuilt; emitter-appended) ---
"""Pipeline reference for scband-model3-64630667870272 (READ-ONLY COPY).

The authoritative reference and input builder live on the scoring server;
editing this copy changes nothing except your own understanding.
"""

import jax, jax.numpy as jnp
import numpy as np

N_NODES = 10000
N_EDGES = 320000
D_FEAT = 128
D_EDGE = 16
HID = 10
N_GRAPHS = 64


def setup_inputs(seed: int = 0) -> dict:
    key = jax.random.key(seed)
    ks = [jax.random.fold_in(key, i) for i in range(16)]
    node_attr = jax.random.normal(ks[0], (N_NODES, D_FEAT), dtype=jnp.float32)
    edge_index = jax.random.randint(ks[1], (2, N_EDGES), 0, N_NODES, dtype=jnp.int64)
    edge_attr = jax.random.normal(ks[2], (N_EDGES, D_EDGE), dtype=jnp.float32)
    batch = jnp.sort(jax.random.randint(ks[3], (N_NODES,), 0, N_GRAPHS, dtype=jnp.int64))
    # MPL_1 parameters (message MLP over [x_src, edge_attr] -> 10)
    W_msg = jax.random.normal(ks[4], (D_FEAT, HID), dtype=jnp.float32) / np.sqrt(D_FEAT)
    W_edge = jax.random.normal(ks[5], (D_EDGE, HID), dtype=jnp.float32) / np.sqrt(D_EDGE)
    b_msg = jnp.zeros((HID,), dtype=jnp.float32)
    lin1_w = jax.random.normal(ks[6], (10, 10), dtype=jnp.float32) / np.sqrt(10)
    lin1_b = jnp.zeros((10,), dtype=jnp.float32)
    lin2_w = jax.random.normal(ks[7], (10, 5), dtype=jnp.float32) / np.sqrt(10)
    lin2_b = jnp.zeros((5,), dtype=jnp.float32)
    lin3_w = jax.random.normal(ks[8], (5, 5), dtype=jnp.float32) / np.sqrt(5)
    lin3_b = jnp.zeros((5,), dtype=jnp.float32)
    lin4_w = jax.random.normal(ks[9], (5, 1), dtype=jnp.float32) / np.sqrt(5)
    lin4_b = jnp.zeros((1,), dtype=jnp.float32)
    return {"node_attr": node_attr, "edge_attr": edge_attr, "W_msg": W_msg, "W_edge": W_edge,
            "b_msg": b_msg, "lin1_w": lin1_w, "lin1_b": lin1_b, "lin2_w": lin2_w, "lin2_b": lin2_b,
            "lin3_w": lin3_w, "lin3_b": lin3_b, "lin4_w": lin4_w, "lin4_b": lin4_b,
            "edge_index": edge_index, "batch": batch}


def reference(node_attr, edge_attr, W_msg, W_edge, b_msg, lin1_w, lin1_b, lin2_w, lin2_b,
              lin3_w, lin3_b, lin4_w, lin4_b, edge_index, batch):
    src = edge_index[0]
    dst = edge_index[1]
    # MPL_1: per-edge message from gathered source node features + edge features,
    # scatter-sum aggregated at destination nodes, then ReLU.
    msg = jnp.take(node_attr, src, axis=0) @ W_msg + edge_attr @ W_edge + b_msg
    agg = jax.ops.segment_sum(msg, dst, num_segments=N_NODES)
    x = jax.nn.relu(agg)
    x = jax.nn.relu(x @ lin1_w + lin1_b)
    x = jax.nn.relu(x @ lin2_w + lin2_b)
    # segment_coo(x, batch, reduce='sum') -> per-graph pooling
    x = jax.ops.segment_sum(x, batch, num_segments=N_GRAPHS)
    x = jax.nn.relu(x @ lin3_w + lin3_b)
    x = x @ lin4_w + lin4_b
    return x

if __name__ == "__main__":
    import jax
    _d = setup_inputs()
    print(jax.jit(kernel)(*tuple(_d.values())))

</pallas_src>

<mosaic_0001>
#map = affine_map<(d0, d1) -> (0, 0)>
#map1 = affine_map<(d0, d1) -> (0, 0, 0)>
module attributes {stable_mosaic.version = 14 : i64} {
  func.func @_sc_body(%arg0: i32, %arg1: i32, %arg2: memref<10000x16xf32, #tpu.memory_space<hbm>>, %arg3: memref<320000x16xf32, #tpu.memory_space<hbm>>, %arg4: memref<2500x128xi32, #tpu.memory_space<hbm>>, %arg5: memref<2500x128xi32, #tpu.memory_space<hbm>>, %arg6: memref<2x10240x16xf32, #tpu.memory_space<hbm>>, %arg7: memref<2x10240x16xf32, #tpu.memory_space<hbm>>, %arg8: memref<79x128xi32, #tpu.memory_space<vmem>>, %arg9: memref<79x128xi32, #tpu.memory_space<vmem>>, %arg10: memref<6x128x16xf32, #tpu.memory_space<vmem>>, %arg11: memref<6x128x16xf32, #tpu.memory_space<vmem>>, %arg12: memref<640x16xf32, #tpu.memory_space<vmem>>, %arg13: memref<10240x16xf32, #tpu.memory_space<vmem_shared>>, %arg14: memref<10240x16xf32, #tpu.memory_space<vmem_shared>>, %arg15: memref<10240x16xf32, #tpu.memory_space<vmem_shared>>, %arg16: memref<!tpu.dma_semaphore, #tpu.memory_space<semaphore_mem>>, %arg17: memref<!tpu.dma_semaphore, #tpu.memory_space<semaphore_mem>>, %arg18: memref<!tpu.dma_semaphore, #tpu.memory_space<semaphore_mem>>) attributes {dimension_semantics = [#tpu.dimension_semantics<core_parallel>, #tpu.dimension_semantics<subcore_parallel>], iteration_bounds = array<i64: 2, 16>, scalar_prefetch = 0 : i64, scratch_operands = 11 : i64, tpu.core_type = #tpu.core_type<sc_vector_subcore>, window_params = [{transform_indices = #map}, {transform_indices = #map}, {transform_indices = #map}, {transform_indices = #map}, {transform_indices = #map1}, {transform_indices = #map1}]} {
    %mul3A = arith.constant 2 : i32
    %mul3A_0 = arith.muli %arg1, %mul3A : i32
    %add3A = arith.addi %mul3A_0, %arg0 : i32
    %scan3A = arith.constant 0 : i32
    %scan3A_1 = arith.constant 0 : i32
    %scan3A_2 = arith.constant 640 : i32
    %scan3A_3 = arith.addi %scan3A_1, %scan3A_2 : i32
    %scan3A_4 = arith.constant 1 : i32
    scf.for %scan3A_47 = %scan3A_1 to %scan3A_3 step %scan3A_4  : i32 {
      %broadcast_in_dim3A = arith.constant 0.000000e+00 : f32
      %broadcast_in_dim3A_48 = vector.broadcast %broadcast_in_dim3A : f32 to vector<16xf32>
      %swap3A = arith.index_cast %scan3A_47 : i32 to index
      %swap3A_49 = arith.constant 0 : index
      %swap3A_50 = tpu.vector_load %arg12[%swap3A, %swap3A_49] {strides = array<i32>} : memref<640x16xf32, #tpu.memory_space<vmem>>, vector<1x16xf32>,
      %swap3A_51 = vector.shape_cast %swap3A_50 : vector<1x16xf32> to vector<16xf32>
      %swap3A_52 = vector.shape_cast %broadcast_in_dim3A_48 : vector<16xf32> to vector<1x16xf32>
      tpu.vector_store %arg12[%swap3A, %swap3A_49], %swap3A_52 {strides = array<i32>} : memref<640x16xf32, #tpu.memory_space<vmem>>, vector<1x16xf32>,
    }
    %scan3A_5 = arith.constant 640 : i32
    %mul3A_6 = arith.constant 640 : i32
    %mul3A_7 = arith.muli %arg1, %mul3A_6 : i32
    "tpu.region"() ({
      %run_scoped3A = tpu.sem_alloc : memref<!tpu.dma_semaphore, #tpu.memory_space<semaphore_mem>>
      %dma_start3A = arith.constant 0 : i32
      %dma_start3A_47 = tpu.memref_slice %arg14[%mul3A_7, %dma_start3A] : memref<10240x16xf32, #tpu.memory_space<vmem_shared>> -> memref<640x16xf32, #tpu.memory_space<vmem_shared>>
      %dma_start3A_48 = arith.constant 0 : i32
      %dma_start3A_49 = tpu.memref_slice %arg14[%mul3A_7, %dma_start3A_48] : memref<10240x16xf32, #tpu.memory_space<vmem_shared>> -> memref<640x16xf32, #tpu.memory_space<vmem_shared>>
      tpu.enqueue_dma source(%arg12 : memref<640x16xf32, #tpu.memory_space<vmem>>) target(%dma_start3A_49 : memref<640x16xf32, #tpu.memory_space<vmem_shared>>) target_semaphore(%run_scoped3A : memref<!tpu.dma_semaphore, #tpu.memory_space<semaphore_mem>>)
      %dma_wait3A = arith.constant 0 : i32
      %dma_wait3A_50 = tpu.memref_slice %arg14[%mul3A_7, %dma_wait3A] : memref<10240x16xf32, #tpu.memory_space<vmem_shared>> -> memref<640x16xf32, #tpu.memory_space<vmem_shared>>
      %dma_wait3A_51 = arith.constant 0 : i32
      %dma_wait3A_52 = tpu.memref_slice %arg14[%mul3A_7, %dma_wait3A_51] : memref<10240x16xf32, #tpu.memory_space<vmem_shared>> -> memref<640x16xf32, #tpu.memory_space<vmem_shared>>
      tpu.wait_dma2 semaphore(%run_scoped3A : memref<!tpu.dma_semaphore, #tpu.memory_space<semaphore_mem>>) src(%arg12 : memref<640x16xf32, #tpu.memory_space<vmem>>) dst(%dma_wait3A_52 : memref<640x16xf32, #tpu.memory_space<vmem_shared>>)
      tpu.yield
    }) : () -> ()
    %mul3A_8 = arith.constant 640 : i32
    %mul3A_9 = arith.muli %arg1, %mul3A_8 : i32
    "tpu.region"() ({
      %run_scoped3A = tpu.sem_alloc : memref<!tpu.dma_semaphore, #tpu.memory_space<semaphore_mem>>
      %dma_start3A = arith.constant 0 : i32
      %dma_start3A_47 = tpu.memref_slice %arg15[%mul3A_9, %dma_start3A] : memref<10240x16xf32, #tpu.memory_space<vmem_shared>> -> memref<640x16xf32, #tpu.memory_space<vmem_shared>>
      %dma_start3A_48 = arith.constant 0 : i32
      %dma_start3A_49 = tpu.memref_slice %arg15[%mul3A_9, %dma_start3A_48] : memref<10240x16xf32, #tpu.memory_space<vmem_shared>> -> memref<640x16xf32, #tpu.memory_space<vmem_shared>>
      tpu.enqueue_dma source(%arg12 : memref<640x16xf32, #tpu.memory_space<vmem>>) target(%dma_start3A_49 : memref<640x16xf32, #tpu.memory_space<vmem_shared>>) target_semaphore(%run_scoped3A : memref<!tpu.dma_semaphore, #tpu.memory_space<semaphore_mem>>)
      %dma_wait3A = arith.constant 0 : i32
      %dma_wait3A_50 = tpu.memref_slice %arg15[%mul3A_9, %dma_wait3A] : memref<10240x16xf32, #tpu.memory_space<vmem_shared>> -> memref<640x16xf32, #tpu.memory_space<vmem_shared>>
      %dma_wait3A_51 = arith.constant 0 : i32
      %dma_wait3A_52 = tpu.memref_slice %arg15[%mul3A_9, %dma_wait3A_51] : memref<10240x16xf32, #tpu.memory_space<vmem_shared>> -> memref<640x16xf32, #tpu.memory_space<vmem_shared>>
      tpu.wait_dma2 semaphore(%run_scoped3A : memref<!tpu.dma_semaphore, #tpu.memory_space<semaphore_mem>>) src(%arg12 : memref<640x16xf32, #tpu.memory_space<vmem>>) dst(%dma_wait3A_52 : memref<640x16xf32, #tpu.memory_space<vmem_shared>>)
      tpu.yield
    }) : () -> ()
    %lt3A = arith.constant 15 : i32
    %lt3A_10 = arith.cmpi slt, %arg1, %lt3A : i32
    %convert_element_type3A = arith.extui %lt3A_10 : i1 to i32
    %cond3A = arith.constant 0 : i32
    %cond3A_11 = arith.cmpi ne, %convert_element_type3A, %cond3A : i32
    scf.if %cond3A_11 {
      %mul3A_47 = arith.constant 640 : i32
      %mul3A_48 = arith.muli %arg1, %mul3A_47 : i32
      "tpu.region"() ({
        %run_scoped3A = tpu.sem_alloc : memref<!tpu.dma_semaphore, #tpu.memory_space<semaphore_mem>>
        %dma_start3A = arith.constant 0 : i32
        %dma_start3A_49 = tpu.memref_slice %arg2[%mul3A_48, %dma_start3A] : memref<10000x16xf32, #tpu.memory_space<hbm>> -> memref<640x16xf32, #tpu.memory_space<hbm>>
        %dma_start3A_50 = arith.constant 0 : i32
        %dma_start3A_51 = tpu.memref_slice %arg2[%mul3A_48, %dma_start3A_50] : memref<10000x16xf32, #tpu.memory_space<hbm>> -> memref<640x16xf32, #tpu.memory_space<hbm>>
        tpu.enqueue_dma source(%dma_start3A_51 : memref<640x16xf32, #tpu.memory_space<hbm>>) target(%arg12 : memref<640x16xf32, #tpu.memory_space<vmem>>) target_semaphore(%run_scoped3A : memref<!tpu.dma_semaphore, #tpu.memory_space<semaphore_mem>>)
        %dma_wait3A = arith.constant 0 : i32
        %dma_wait3A_52 = tpu.memref_slice %arg2[%mul3A_48, %dma_wait3A] : memref<10000x16xf32, #tpu.memory_space<hbm>> -> memref<640x16xf32, #tpu.memory_space<hbm>>
        %dma_wait3A_53 = arith.constant 0 : i32
        %dma_wait3A_54 = tpu.memref_slice %arg2[%mul3A_48, %dma_wait3A_53] : memref<10000x16xf32, #tpu.memory_space<hbm>> -> memref<640x16xf32, #tpu.memory_space<hbm>>
        tpu.wait_dma2 semaphore(%run_scoped3A : memref<!tpu.dma_semaphore, #tpu.memory_space<semaphore_mem>>) src(%dma_wait3A_54 : memref<640x16xf32, #tpu.memory_space<hbm>>) dst(%arg12 : memref<640x16xf32, #tpu.memory_space<vmem>>)
        tpu.yield
      }) : () -> ()
    } else {
    }
    %eq3A = arith.constant 15 : i32
    %eq3A_12 = arith.cmpi eq, %arg1, %eq3A : i32
    %convert_element_type3A_13 = arith.extui %eq3A_12 : i1 to i32
    %cond3A_14 = arith.constant 0 : i32
    %cond3A_15 = arith.cmpi ne, %convert_element_type3A_13, %cond3A_14 : i32
    scf.if %cond3A_15 {
      "tpu.region"() ({
        %run_scoped3A = tpu.sem_alloc : memref<!tpu.dma_semaphore, #tpu.memory_space<semaphore_mem>>
        %dma_start3A = arith.constant 0 : i32
        %dma_start3A_47 = arith.constant 0 : i32
        %dma_start3A_48 = tpu.memref_slice %arg12[%dma_start3A, %dma_start3A_47] : memref<640x16xf32, #tpu.memory_space<vmem>> -> memref<400x16xf32, #tpu.memory_space<vmem>>
        %dma_start3A_49 = arith.constant 9600 : i32
        %dma_start3A_50 = arith.constant 0 : i32
        %dma_start3A_51 = tpu.memref_slice %arg2[%dma_start3A_49, %dma_start3A_50] : memref<10000x16xf32, #tpu.memory_space<hbm>> -> memref<400x16xf32, #tpu.memory_space<hbm>>
        %dma_start3A_52 = arith.constant 0 : i32
        %dma_start3A_53 = arith.constant 0 : i32
        %dma_start3A_54 = tpu.memref_slice %arg12[%dma_start3A_52, %dma_start3A_53] : memref<640x16xf32, #tpu.memory_space<vmem>> -> memref<400x16xf32, #tpu.memory_space<vmem>>
        %dma_start3A_55 = arith.constant 9600 : i32
        %dma_start3A_56 = arith.constant 0 : i32
        %dma_start3A_57 = tpu.memref_slice %arg2[%dma_start3A_55, %dma_start3A_56] : memref<10000x16xf32, #tpu.memory_space<hbm>> -> memref<400x16xf32, #tpu.memory_space<hbm>>
        tpu.enqueue_dma source(%dma_start3A_57 : memref<400x16xf32, #tpu.memory_space<hbm>>) target(%dma_start3A_54 : memref<400x16xf32, #tpu.memory_space<vmem>>) target_semaphore(%run_scoped3A : memref<!tpu.dma_semaphore, #tpu.memory_space<semaphore_mem>>)
        %dma_wait3A = arith.constant 0 : i32
        %dma_wait3A_58 = arith.constant 0 : i32
        %dma_wait3A_59 = tpu.memref_slice %arg12[%dma_wait3A, %dma_wait3A_58] : memref<640x16xf32, #tpu.memory_space<vmem>> -> memref<400x16xf32, #tpu.memory_space<vmem>>
        %dma_wait3A_60 = arith.constant 9600 : i32
        %dma_wait3A_61 = arith.constant 0 : i32
        %dma_wait3A_62 = tpu.memref_slice %arg2[%dma_wait3A_60, %dma_wait3A_61] : memref<10000x16xf32, #tpu.memory_space<hbm>> -> memref<400x16xf32, #tpu.memory_space<hbm>>
        %dma_wait3A_63 = arith.constant 0 : i32
        %dma_wait3A_64 = arith.constant 0 : i32
        %dma_wait3A_65 = tpu.memref_slice %arg12[%dma_wait3A_63, %dma_wait3A_64] : memref<640x16xf32, #tpu.memory_space<vmem>> -> memref<400x16xf32, #tpu.memory_space<vmem>>
        %dma_wait3A_66 = arith.constant 9600 : i32
        %dma_wait3A_67 = arith.constant 0 : i32
        %dma_wait3A_68 = tpu.memref_slice %arg2[%dma_wait3A_66, %dma_wait3A_67] : memref<10000x16xf32, #tpu.memory_space<hbm>> -> memref<400x16xf32, #tpu.memory_space<hbm>>
        tpu.wait_dma2 semaphore(%run_scoped3A : memref<!tpu.dma_semaphore, #tpu.memory_space<semaphore_mem>>) src(%dma_wait3A_68 : memref<400x16xf32, #tpu.memory_space<hbm>>) dst(%dma_wait3A_65 : memref<400x16xf32, #tpu.memory_space<vmem>>)
        tpu.yield
      }) : () -> ()
    } else {
    }
    %mul3A_16 = arith.constant 640 : i32
    %mul3A_17 = arith.muli %arg1, %mul3A_16 : i32
    "tpu.region"() ({
      %run_scoped3A = tpu.sem_alloc : memref<!tpu.dma_semaphore, #tpu.memory_space<semaphore_mem>>
      %dma_start3A = arith.constant 0 : i32
      %dma_start3A_47 = tpu.memref_slice %arg13[%mul3A_17, %dma_start3A] : memref<10240x16xf32, #tpu.memory_space<vmem_shared>> -> memref<640x16xf32, #tpu.memory_space<vmem_shared>>
      %dma_start3A_48 = arith.constant 0 : i32
      %dma_start3A_49 = tpu.memref_slice %arg13[%mul3A_17, %dma_start3A_48] : memref<10240x16xf32, #tpu.memory_space<vmem_shared>> -> memref<640x16xf32, #tpu.memory_space<vmem_shared>>
      tpu.enqueue_dma source(%arg12 : memref<640x16xf32, #tpu.memory_space<vmem>>) target(%dma_start3A_49 : memref<640x16xf32, #tpu.memory_space<vmem_shared>>) target_semaphore(%run_scoped3A : memref<!tpu.dma_semaphore, #tpu.memory_space<semaphore_mem>>)
      %dma_wait3A = arith.constant 0 : i32
      %dma_wait3A_50 = tpu.memref_slice %arg13[%mul3A_17, %dma_wait3A] : memref<10240x16xf32, #tpu.memory_space<vmem_shared>> -> memref<640x16xf32, #tpu.memory_space<vmem_shared>>
      %dma_wait3A_51 = arith.constant 0 : i32
      %dma_wait3A_52 = tpu.memref_slice %arg13[%mul3A_17, %dma_wait3A_51] : memref<10240x16xf32, #tpu.memory_space<vmem_shared>> -> memref<640x16xf32, #tpu.memory_space<vmem_shared>>
      tpu.wait_dma2 semaphore(%run_scoped3A : memref<!tpu.dma_semaphore, #tpu.memory_space<semaphore_mem>>) src(%arg12 : memref<640x16xf32, #tpu.memory_space<vmem>>) dst(%dma_wait3A_52 : memref<640x16xf32, #tpu.memory_space<vmem_shared>>)
      tpu.yield
    }) : () -> ()
    %barrier3A = arith.constant 0 : index
    tpu.barrier barrier_id(%barrier3A)
    %mul3A_18 = arith.constant 78 : i32
    %mul3A_19 = arith.muli %add3A, %mul3A_18 : i32
    "tpu.region"() ({
      %run_scoped3A = tpu.sem_alloc : memref<!tpu.dma_semaphore, #tpu.memory_space<semaphore_mem>>
      %dma_start3A = arith.constant 0 : i32
      %dma_start3A_47 = arith.constant 0 : i32
      %dma_start3A_48 = tpu.memref_slice %arg8[%dma_start3A, %dma_start3A_47] : memref<79x128xi32, #tpu.memory_space<vmem>> -> memref<78x128xi32, #tpu.memory_space<vmem>>
      %dma_start3A_49 = arith.constant 0 : i32
      %dma_start3A_50 = tpu.memref_slice %arg4[%mul3A_19, %dma_start3A_49] : memref<2500x128xi32, #tpu.memory_space<hbm>> -> memref<78x128xi32, #tpu.memory_space<hbm>>
      %dma_start3A_51 = arith.constant 0 : i32
      %dma_start3A_52 = arith.constant 0 : i32
      %dma_start3A_53 = tpu.memref_slice %arg8[%dma_start3A_51, %dma_start3A_52] : memref<79x128xi32, #tpu.memory_space<vmem>> -> memref<78x128xi32, #tpu.memory_space<vmem>>
      %dma_start3A_54 = arith.constant 0 : i32
      %dma_start3A_55 = tpu.memref_slice %arg4[%mul3A_19, %dma_start3A_54] : memref<2500x128xi32, #tpu.memory_space<hbm>> -> memref<78x128xi32, #tpu.memory_space<hbm>>
      tpu.enqueue_dma source(%dma_start3A_55 : memref<78x128xi32, #tpu.memory_space<hbm>>) target(%dma_start3A_53 : memref<78x128xi32, #tpu.memory_space<vmem>>) target_semaphore(%run_scoped3A : memref<!tpu.dma_semaphore, #tpu.memory_space<semaphore_mem>>)
      %dma_wait3A = arith.constant 0 : i32
      %dma_wait3A_56 = arith.constant 0 : i32
      %dma_wait3A_57 = tpu.memref_slice %arg8[%dma_wait3A, %dma_wait3A_56] : memref<79x128xi32, #tpu.memory_space<vmem>> -> memref<78x128xi32, #tpu.memory_space<vmem>>
      %dma_wait3A_58 = arith.constant 0 : i32
      %dma_wait3A_59 = tpu.memref_slice %arg4[%mul3A_19, %dma_wait3A_58] : memref<2500x128xi32, #tpu.memory_space<hbm>> -> memref<78x128xi32, #tpu.memory_space<hbm>>
      %dma_wait3A_60 = arith.constant 0 : i32
      %dma_wait3A_61 = arith.constant 0 : i32
      %dma_wait3A_62 = tpu.memref_slice %arg8[%dma_wait3A_60, %dma_wait3A_61] : memref<79x128xi32, #tpu.memory_space<vmem>> -> memref<78x128xi32, #tpu.memory_space<vmem>>
      %dma_wait3A_63 = arith.constant 0 : i32
      %dma_wait3A_64 = tpu.memref_slice %arg4[%mul3A_19, %dma_wait3A_63] : memref<2500x128xi32, #tpu.memory_space<hbm>> -> memref<78x128xi32, #tpu.memory_space<hbm>>
      tpu.wait_dma2 semaphore(%run_scoped3A : memref<!tpu.dma_semaphore, #tpu.memory_space<semaphore_mem>>) src(%dma_wait3A_64 : memref<78x128xi32, #tpu.memory_space<hbm>>) dst(%dma_wait3A_62 : memref<78x128xi32, #tpu.memory_space<vmem>>)
      tpu.yield
    }) : () -> ()
    %mul3A_20 = arith.constant 78 : i32
    %mul3A_21 = arith.muli %add3A, %mul3A_20 : i32
    "tpu.region"() ({
      %run_scoped3A = tpu.sem_alloc : memref<!tpu.dma_semaphore, #tpu.memory_space<semaphore_mem>>
      %dma_start3A = arith.constant 0 : i32
      %dma_start3A_47 = arith.constant 0 : i32
      %dma_start3A_48 = tpu.memref_slice %arg9[%dma_start3A, %dma_start3A_47] : memref<79x128xi32, #tpu.memory_space<vmem>> -> memref<78x128xi32, #tpu.memory_space<vmem>>
      %dma_start3A_49 = arith.constant 0 : i32
      %dma_start3A_50 = tpu.memref_slice %arg5[%mul3A_21, %dma_start3A_49] : memref<2500x128xi32, #tpu.memory_space<hbm>> -> memref<78x128xi32, #tpu.memory_space<hbm>>
      %dma_start3A_51 = arith.constant 0 : i32
      %dma_start3A_52 = arith.constant 0 : i32
      %dma_start3A_53 = tpu.memref_slice %arg9[%dma_start3A_51, %dma_start3A_52] : memref<79x128xi32, #tpu.memory_space<vmem>> -> memref<78x128xi32, #tpu.memory_space<vmem>>
      %dma_start3A_54 = arith.constant 0 : i32
      %dma_start3A_55 = tpu.memref_slice %arg5[%mul3A_21, %dma_start3A_54] : memref<2500x128xi32, #tpu.memory_space<hbm>> -> memref<78x128xi32, #tpu.memory_space<hbm>>
      tpu.enqueue_dma source(%dma_start3A_55 : memref<78x128xi32, #tpu.memory_space<hbm>>) target(%dma_start3A_53 : memref<78x128xi32, #tpu.memory_space<vmem>>) target_semaphore(%run_scoped3A : memref<!tpu.dma_semaphore, #tpu.memory_space<semaphore_mem>>)
      %dma_wait3A = arith.constant 0 : i32
      %dma_wait3A_56 = arith.constant 0 : i32
      %dma_wait3A_57 = tpu.memref_slice %arg9[%dma_wait3A, %dma_wait3A_56] : memref<79x128xi32, #tpu.memory_space<vmem>> -> memref<78x128xi32, #tpu.memory_space<vmem>>
      %dma_wait3A_58 = arith.constant 0 : i32
      %dma_wait3A_59 = tpu.memref_slice %arg5[%mul3A_21, %dma_wait3A_58] : memref<2500x128xi32, #tpu.memory_space<hbm>> -> memref<78x128xi32, #tpu.memory_space<hbm>>
      %dma_wait3A_60 = arith.constant 0 : i32
      %dma_wait3A_61 = arith.constant 0 : i32
      %dma_wait3A_62 = tpu.memref_slice %arg9[%dma_wait3A_60, %dma_wait3A_61] : memref<79x128xi32, #tpu.memory_space<vmem>> -> memref<78x128xi32, #tpu.memory_space<vmem>>
      %dma_wait3A_63 = arith.constant 0 : i32
      %dma_wait3A_64 = tpu.memref_slice %arg5[%mul3A_21, %dma_wait3A_63] : memref<2500x128xi32, #tpu.memory_space<hbm>> -> memref<78x128xi32, #tpu.memory_space<hbm>>
      tpu.wait_dma2 semaphore(%run_scoped3A : memref<!tpu.dma_semaphore, #tpu.memory_space<semaphore_mem>>) src(%dma_wait3A_64 : memref<78x128xi32, #tpu.memory_space<hbm>>) dst(%dma_wait3A_62 : memref<78x128xi32, #tpu.memory_space<vmem>>)
      tpu.yield
    }) : () -> ()
    %lt3A_22 = arith.constant 4 : i32
    %lt3A_23 = arith.cmpi slt, %add3A, %lt3A_22 : i32
    %convert_element_type3A_24 = arith.extui %lt3A_23 : i1 to i32
    %cond3A_25 = arith.constant 0 : i32
    %cond3A_26 = arith.cmpi ne, %convert_element_type3A_24, %cond3A_25 : i32
    scf.if %cond3A_26 {
      %add3A_47 = arith.constant 2496 : i32
      %add3A_48 = arith.addi %add3A_47, %add3A : i32
      "tpu.region"() ({
        %run_scoped3A = tpu.sem_alloc : memref<!tpu.dma_semaphore, #tpu.memory_space<semaphore_mem>>
        %dma_start3A = arith.constant 78 : i32
        %dma_start3A_51 = arith.constant 0 : i32
        %dma_start3A_52 = tpu.memref_slice %arg8[%dma_start3A, %dma_start3A_51] : memref<79x128xi32, #tpu.memory_space<vmem>> -> memref<1x128xi32, #tpu.memory_space<vmem>>
        %dma_start3A_53 = arith.constant 0 : i32
        %dma_start3A_54 = tpu.memref_slice %arg4[%add3A_48, %dma_start3A_53] : memref<2500x128xi32, #tpu.memory_space<hbm>> -> memref<1x128xi32, #tpu.memory_space<hbm>>
        %dma_start3A_55 = arith.constant 78 : i32
        %dma_start3A_56 = arith.constant 0 : i32
        %dma_start3A_57 = tpu.memref_slice %arg8[%dma_start3A_55, %dma_start3A_56] : memref<79x128xi32, #tpu.memory_space<vmem>> -> memref<1x128xi32, #tpu.memory_space<vmem>>
        %dma_start3A_58 = arith.constant 0 : i32
        %dma_start3A_59 = tpu.memref_slice %arg4[%add3A_48, %dma_start3A_58] : memref<2500x128xi32, #tpu.memory_space<hbm>> -> memref<1x128xi32, #tpu.memory_space<hbm>>
        tpu.enqueue_dma source(%dma_start3A_59 : memref<1x128xi32, #tpu.memory_space<hbm>>) target(%dma_start3A_57 : memref<1x128xi32, #tpu.memory_space<vmem>>) target_semaphore(%run_scoped3A : memref<!tpu.dma_semaphore, #tpu.memory_space<semaphore_mem>>)
        %dma_wait3A = arith.constant 78 : i32
        %dma_wait3A_60 = arith.constant 0 : i32
        %dma_wait3A_61 = tpu.memref_slice %arg8[%dma_wait3A, %dma_wait3A_60] : memref<79x128xi32, #tpu.memory_space<vmem>> -> memref<1x128xi32, #tpu.memory_space<vmem>>
        %dma_wait3A_62 = arith.constant 0 : i32
        %dma_wait3A_63 = tpu.memref_slice %arg4[%add3A_48, %dma_wait3A_62] : memref<2500x128xi32, #tpu.memory_space<hbm>> -> memref<1x128xi32, #tpu.memory_space<hbm>>
        %dma_wait3A_64 = arith.constant 78 : i32
        %dma_wait3A_65 = arith.constant 0 : i32
        %dma_wait3A_66 = tpu.memref_slice %arg8[%dma_wait3A_64, %dma_wait3A_65] : memref<79x128xi32, #tpu.memory_space<vmem>> -> memref<1x128xi32, #tpu.memory_space<vmem>>
        %dma_wait3A_67 = arith.constant 0 : i32
        %dma_wait3A_68 = tpu.memref_slice %arg4[%add3A_48, %dma_wait3A_67] : memref<2500x128xi32, #tpu.memory_space<hbm>> -> memref<1x128xi32, #tpu.memory_space<hbm>>
        tpu.wait_dma2 semaphore(%run_scoped3A : memref<!tpu.dma_semaphore, #tpu.memory_space<semaphore_mem>>) src(%dma_wait3A_68 : memref<1x128xi32, #tpu.memory_space<hbm>>) dst(%dma_wait3A_66 : memref<1x128xi32, #tpu.memory_space<vmem>>)
        tpu.yield
      }) : () -> ()
      %add3A_49 = arith.constant 2496 : i32
      %add3A_50 = arith.addi %add3A_49, %add3A : i32
      "tpu.region"() ({
        %run_scoped3A = tpu.sem_alloc : memref<!tpu.dma_semaphore, #tpu.memory_space<semaphore_mem>>
        %dma_start3A = arith.constant 78 : i32
        %dma_start3A_51 = arith.constant 0 : i32
        %dma_start3A_52 = tpu.memref_slice %arg9[%dma_start3A, %dma_start3A_51] : memref<79x128xi32, #tpu.memory_space<vmem>> -> memref<1x128xi32, #tpu.memory_space<vmem>>
        %dma_start3A_53 = arith.constant 0 : i32
        %dma_start3A_54 = tpu.memref_slice %arg5[%add3A_50, %dma_start3A_53] : memref<2500x128xi32, #tpu.memory_space<hbm>> -> memref<1x128xi32, #tpu.memory_space<hbm>>
        %dma_start3A_55 = arith.constant 78 : i32
        %dma_start3A_56 = arith.constant 0 : i32
        %dma_start3A_57 = tpu.memref_slice %arg9[%dma_start3A_55, %dma_start3A_56] : memref<79x128xi32, #tpu.memory_space<vmem>> -> memref<1x128xi32, #tpu.memory_space<vmem>>
        %dma_start3A_58 = arith.constant 0 : i32
        %dma_start3A_59 = tpu.memref_slice %arg5[%add3A_50, %dma_start3A_58] : memref<2500x128xi32, #tpu.memory_space<hbm>> -> memref<1x128xi32, #tpu.memory_space<hbm>>
        tpu.enqueue_dma source(%dma_start3A_59 : memref<1x128xi32, #tpu.memory_space<hbm>>) target(%dma_start3A_57 : memref<1x128xi32, #tpu.memory_space<vmem>>) target_semaphore(%run_scoped3A : memref<!tpu.dma_semaphore, #tpu.memory_space<semaphore_mem>>)
        %dma_wait3A = arith.constant 78 : i32
        %dma_wait3A_60 = arith.constant 0 : i32
        %dma_wait3A_61 = tpu.memref_slice %arg9[%dma_wait3A, %dma_wait3A_60] : memref<79x128xi32, #tpu.memory_space<vmem>> -> memref<1x128xi32, #tpu.memory_space<vmem>>
        %dma_wait3A_62 = arith.constant 0 : i32
        %dma_wait3A_63 = tpu.memref_slice %arg5[%add3A_50, %dma_wait3A_62] : memref<2500x128xi32, #tpu.memory_space<hbm>> -> memref<1x128xi32, #tpu.memory_space<hbm>>
        %dma_wait3A_64 = arith.constant 78 : i32
        %dma_wait3A_65 = arith.constant 0 : i32
        %dma_wait3A_66 = tpu.memref_slice %arg9[%dma_wait3A_64, %dma_wait3A_65] : memref<79x128xi32, #tpu.memory_space<vmem>> -> memref<1x128xi32, #tpu.memory_space<vmem>>
        %dma_wait3A_67 = arith.constant 0 : i32
        %dma_wait3A_68 = tpu.memref_slice %arg5[%add3A_50, %dma_wait3A_67] : memref<2500x128xi32, #tpu.memory_space<hbm>> -> memref<1x128xi32, #tpu.memory_space<hbm>>
        tpu.wait_dma2 semaphore(%run_scoped3A : memref<!tpu.dma_semaphore, #tpu.memory_space<semaphore_mem>>) src(%dma_wait3A_68 : memref<1x128xi32, #tpu.memory_space<hbm>>) dst(%dma_wait3A_66 : memref<1x128xi32, #tpu.memory_space<vmem>>)
        tpu.yield
      }) : () -> ()
    } else {
    }
    %scan3A_27 = arith.constant 0 : i32
    %scan3A_28 = arith.constant 0 : i32
    %scan3A_29 = arith.constant 13 : i32
    %scan3A_30 = arith.addi %scan3A_28, %scan3A_29 : i32
    %scan3A_31 = arith.constant 1 : i32
    scf.for %scan3A_47 = %scan3A_28 to %scan3A_30 step %scan3A_31  : i32 {
      %mul3A_48 = arith.constant 6 : i32
      %mul3A_49 = arith.muli %scan3A_47, %mul3A_48 : i32
      %add3A_50 = arith.constant 0 : i32
      %add3A_51 = arith.addi %mul3A_49, %add3A_50 : i32
      %mul3A_52 = arith.constant 78 : i32
      %mul3A_53 = arith.muli %add3A, %mul3A_52 : i32
      %add3A_54 = arith.addi %mul3A_53, %add3A_51 : i32
      %mul3A_55 = arith.constant 128 : i32
      %mul3A_56 = arith.muli %add3A_54, %mul3A_55 : i32
      %dma_start3A = arith.constant 0 : i32
      %dma_start3A_57 = arith.constant 0 : i32
      %dma_start3A_58 = arith.constant 0 : i32
      %dma_start3A_59 = tpu.memref_slice %arg10[%dma_start3A, %dma_start3A_57, %dma_start3A_58] : memref<6x128x16xf32, #tpu.memory_space<vmem>> -> memref<1x128x16xf32, #tpu.memory_space<vmem>>
      %dma_start3A_60 = tpu.memref_squeeze %dma_start3A_59 : memref<1x128x16xf32, #tpu.memory_space<vmem>> -> memref<128x16xf32, #tpu.memory_space<vmem>>
      %dma_start3A_61 = arith.constant 0 : i32
      %dma_start3A_62 = tpu.memref_slice %arg3[%mul3A_56, %dma_start3A_61] : memref<320000x16xf32, #tpu.memory_space<hbm>> -> memref<128x16xf32, #tpu.memory_space<hbm>>
      %dma_start3A_63 = arith.constant 0 : i32
      %dma_start3A_64 = arith.constant 0 : i32
      %dma_start3A_65 = tpu.memref_slice %arg10[%dma_start3A, %dma_start3A_63, %dma_start3A_64] : memref<6x128x16xf32, #tpu.memory_space<vmem>> -> memref<1x128x16xf32, #tpu.memory_space<vmem>>
      %dma_start3A_66 = tpu.memref_squeeze %dma_start3A_65 : memref<1x128x16xf32, #tpu.memory_space<vmem>> -> memref<128x16xf32, #tpu.memory_space<vmem>>
      %dma_start3A_67 = arith.constant 0 : i32
      %dma_start3A_68 = tpu.memref_slice %arg3[%mul3A_56, %dma_start3A_67] : memref<320000x16xf32, #tpu.memory_space<hbm>> -> memref<128x16xf32, #tpu.memory_space<hbm>>
      tpu.enqueue_dma source(%dma_start3A_68 : memref<128x16xf32, #tpu.memory_space<hbm>>) target(%dma_start3A_66 : memref<128x16xf32, #tpu.memory_space<vmem>>) target_semaphore(%arg16 : memref<!tpu.dma_semaphore, #tpu.memory_space<semaphore_mem>>)
      %dma_start3A_69 = arith.constant 0 : i32
      %dma_start3A_70 = arith.constant 0 : i32
      %dma_start3A_71 = arith.constant 0 : i32
      %dma_start3A_72 = tpu.memref_slice %arg11[%dma_start3A_69, %dma_start3A_70, %dma_start3A_71] : memref<6x128x16xf32, #tpu.memory_space<vmem>> -> memref<1x128x16xf32, #tpu.memory_space<vmem>>
      %dma_start3A_73 = tpu.memref_squeeze %dma_start3A_72 : memref<1x128x16xf32, #tpu.memory_space<vmem>> -> memref<128x16xf32, #tpu.memory_space<vmem>>
      %dma_start3A_74 = arith.constant 0 : i32
      %dma_start3A_75 = tpu.memref_slice %arg8[%add3A_51, %dma_start3A_74] : memref<79x128xi32, #tpu.memory_space<vmem>> -> memref<1x128xi32, #tpu.memory_space<vmem>>
      %dma_start3A_76 = tpu.memref_squeeze %dma_start3A_75 : memref<1x128xi32, #tpu.memory_space<vmem>> -> memref<128xi32, #tpu.memory_space<vmem>>
      %dma_start3A_77 = arith.constant 0 : i32
      %dma_start3A_78 = arith.constant 0 : i32
      %dma_start3A_79 = tpu.memref_slice %arg13[%dma_start3A_77, %dma_start3A_78] : memref<10240x16xf32, #tpu.memory_space<vmem_shared>> -> memref<10240x16xf32, #tpu.memory_space<vmem_shared>>
      tpu.enqueue_indirect_dma source(%dma_start3A_79 : memref<10240x16xf32, #tpu.memory_space<vmem_shared>>) target(%dma_start3A_73 : memref<128x16xf32, #tpu.memory_space<vmem>>) offsets(%dma_start3A_76 : memref<128xi32, #tpu.memory_space<vmem>>) semaphore(%arg17 : memref<!tpu.dma_semaphore, #tpu.memory_space<semaphore_mem>>)
      %mul3A_80 = arith.constant 6 : i32
      %mul3A_81 = arith.muli %scan3A_47, %mul3A_80 : i32
      %add3A_82 = arith.constant 1 : i32
      %add3A_83 = arith.addi %mul3A_81, %add3A_82 : i32
      %mul3A_84 = arith.constant 78 : i32
      %mul3A_85 = arith.muli %add3A, %mul3A_84 : i32
      %add3A_86 = arith.addi %mul3A_85, %add3A_83 : i32
      %mul3A_87 = arith.constant 128 : i32
      %mul3A_88 = arith.muli %add3A_86, %mul3A_87 : i32
      %dma_start3A_89 = arith.constant 1 : i32
      %dma_start3A_90 = arith.constant 0 : i32
      %dma_start3A_91 = arith.constant 0 : i32
      %dma_start3A_92 = tpu.memref_slice %arg10[%dma_start3A_89, %dma_start3A_90, %dma_start3A_91] : memref<6x128x16xf32, #tpu.memory_space<vmem>> -> memref<1x128x16xf32, #tpu.memory_space<vmem>>
      %dma_start3A_93 = tpu.memref_squeeze %dma_start3A_92 : memref<1x128x16xf32, #tpu.memory_space<vmem>> -> memref<128x16xf32, #tpu.memory_space<vmem>>
      %dma_start3A_94 = arith.constant 0 : i32
      %dma_start3A_95 = tpu.memref_slice %arg3[%mul3A_88, %dma_start3A_94] : memref<320000x16xf32, #tpu.memory_space<hbm>> -> memref<128x16xf32, #tpu.memory_space<hbm>>
      %dma_start3A_96 = arith.constant 0 : i32
      %dma_start3A_97 = arith.constant 0 : i32
      %dma_start3A_98 = tpu.memref_slice %arg10[%dma_start3A_89, %dma_start3A_96, %dma_start3A_97] : memref<6x128x16xf32, #tpu.memory_space<vmem>> -> memref<1x128x16xf32, #tpu.memory_space<vmem>>
      %dma_start3A_99 = tpu.memref_squeeze %dma_start3A_98 : memref<1x128x16xf32, #tpu.memory_space<vmem>> -> memref<128x16xf32, #tpu.memory_space<vmem>>
      %dma_start3A_100 = arith.constant 0 : i32
      %dma_start3A_101 = tpu.memref_slice %arg3[%mul3A_88, %dma_start3A_100] : memref<320000x16xf32, #tpu.memory_space<hbm>> -> memref<128x16xf32, #tpu.memory_space<hbm>>
      tpu.enqueue_dma source(%dma_start3A_101 : memref<128x16xf32, #tpu.memory_space<hbm>>) target(%dma_start3A_99 : memref<128x16xf32, #tpu.memory_space<vmem>>) target_semaphore(%arg16 : memref<!tpu.dma_semaphore, #tpu.memory_space<semaphore_mem>>)
      %dma_start3A_102 = arith.constant 1 : i32
      %dma_start3A_103 = arith.constant 0 : i32
      %dma_start3A_104 = arith.constant 0 : i32
      %dma_start3A_105 = tpu.memref_slice %arg11[%dma_start3A_102, %dma_start3A_103, %dma_start3A_104] : memref<6x128x16xf32, #tpu.memory_space<vmem>> -> memref<1x128x16xf32, #tpu.memory_space<vmem>>
      %dma_start3A_106 = tpu.memref_squeeze %dma_start3A_105 : memref<1x128x16xf32, #tpu.memory_space<vmem>> -> memref<128x16xf32, #tpu.memory_space<vmem>>
      %dma_start3A_107 = arith.constant 0 : i32
      %dma_start3A_108 = tpu.memref_slice %arg8[%add3A_83, %dma_start3A_107] : memref<79x128xi32, #tpu.memory_space<vmem>> -> memref<1x128xi32, #tpu.memory_space<vmem>>
      %dma_start3A_109 = tpu.memref_squeeze %dma_start3A_108 : memref<1x128xi32, #tpu.memory_space<vmem>> -> memref<128xi32, #tpu.memory_space<vmem>>
      %dma_start3A_110 = arith.constant 0 : i32
      %dma_start3A_111 = arith.constant 0 : i32
      %dma_start3A_112 = tpu.memref_slice %arg13[%dma_start3A_110, %dma_start3A_111] : memref<10240x16xf32, #tpu.memory_space<vmem_shared>> -> memref<10240x16xf32, #tpu.memory_space<vmem_shared>>
      tpu.enqueue_indirect_dma source(%dma_start3A_112 : memref<10240x16xf32, #tpu.memory_space<vmem_shared>>) target(%dma_start3A_106 : memref<128x16xf32, #tpu.memory_space<vmem>>) offsets(%dma_start3A_109 : memref<128xi32, #tpu.memory_space<vmem>>) semaphore(%arg17 : memref<!tpu.dma_semaphore, #tpu.memory_space<semaphore_mem>>)
      %mul3A_113 = arith.constant 6 : i32
      %mul3A_114 = arith.muli %scan3A_47, %mul3A_113 : i32
      %add3A_115 = arith.constant 2 : i32
      %add3A_116 = arith.addi %mul3A_114, %add3A_115 : i32
      %mul3A_117 = arith.constant 78 : i32
      %mul3A_118 = arith.muli %add3A, %mul3A_117 : i32
      %add3A_119 = arith.addi %mul3A_118, %add3A_116 : i32
      %mul3A_120 = arith.constant 128 : i32
      %mul3A_121 = arith.muli %add3A_119, %mul3A_120 : i32
      %dma_start3A_122 = arith.constant 2 : i32
      %dma_start3A_123 = arith.constant 0 : i32
      %dma_start3A_124 = arith.constant 0 : i32
      %dma_start3A_125 = tpu.memref_slice %arg10[%dma_start3A_122, %dma_start3A_123, %dma_start3A_124] : memref<6x128x16xf32, #tpu.memory_space<vmem>> -> memref<1x128x16xf32, #tpu.memory_space<vmem>>
      %dma_start3A_126 = tpu.memref_squeeze %dma_start3A_125 : memref<1x128x16xf32, #tpu.memory_space<vmem>> -> memref<128x16xf32, #tpu.memory_space<vmem>>
      %dma_start3A_127 = arith.constant 0 : i32
      %dma_start3A_128 = tpu.memref_slice %arg3[%mul3A_121, %dma_start3A_127] : memref<320000x16xf32, #tpu.memory_space<hbm>> -> memref<128x16xf32, #tpu.memory_space<hbm>>
      %dma_start3A_129 = arith.constant 0 : i32
      %dma_start3A_130 = arith.constant 0 : i32
      %dma_start3A_131 = tpu.memref_slice %arg10[%dma_start3A_122, %dma_start3A_129, %dma_start3A_130] : memref<6x128x16xf32, #tpu.memory_space<vmem>> -> memref<1x128x16xf32, #tpu.memory_space<vmem>>
      %dma_start3A_132 = tpu.memref_squeeze %dma_start3A_131 : memref<1x128x16xf32, #tpu.memory_space<vmem>> -> memref<128x16xf32, #tpu.memory_space<vmem>>
      %dma_start3A_133 = arith.constant 0 : i32
      %dma_start3A_134 = tpu.memref_slice %arg3[%mul3A_121, %dma_start3A_133] : memref<320000x16xf32, #tpu.memory_space<hbm>> -> memref<128x16xf32, #tpu.memory_space<hbm>>
      tpu.enqueue_dma source(%dma_start3A_134 : memref<128x16xf32, #tpu.memory_space<hbm>>) target(%dma_start3A_132 : memref<128x16xf32, #tpu.memory_space<vmem>>) target_semaphore(%arg16 : memref<!tpu.dma_semaphore, #tpu.memory_space<semaphore_mem>>)
      %dma_start3A_135 = arith.constant 2 : i32
      %dma_start3A_136 = arith.constant 0 : i32
      %dma_start3A_137 = arith.constant 0 : i32
      %dma_start3A_138 = tpu.memref_slice %arg11[%dma_start3A_135, %dma_start3A_136, %dma_start3A_137] : memref<6x128x16xf32, #tpu.memory_space<vmem>> -> memref<1x128x16xf32, #tpu.memory_space<vmem>>
      %dma_start3A_139 = tpu.memref_squeeze %dma_start3A_138 : memref<1x128x16xf32, #tpu.memory_space<vmem>> -> memref<128x16xf32, #tpu.memory_space<vmem>>
      %dma_start3A_140 = arith.constant 0 : i32
      %dma_start3A_141 = tpu.memref_slice %arg8[%add3A_116, %dma_start3A_140] : memref<79x128xi32, #tpu.memory_space<vmem>> -> memref<1x128xi32, #tpu.memory_space<vmem>>
      %dma_start3A_142 = tpu.memref_squeeze %dma_start3A_141 : memref<1x128xi32, #tpu.memory_space<vmem>> -> memref<128xi32, #tpu.memory_space<vmem>>
      %dma_start3A_143 = arith.constant 0 : i32
      %dma_start3A_144 = arith.constant 0 : i32
      %dma_start3A_145 = tpu.memref_slice %arg13[%dma_start3A_143, %dma_start3A_144] : memref<10240x16xf32, #tpu.memory_space<vmem_shared>> -> memref<10240x16xf32, #tpu.memory_space<vmem_shared>>
      tpu.enqueue_indirect_dma source(%dma_start3A_145 : memref<10240x16xf32, #tpu.memory_space<vmem_shared>>) target(%dma_start3A_139 : memref<128x16xf32, #tpu.memory_space<vmem>>) offsets(%dma_start3A_142 : memref<128xi32, #tpu.memory_space<vmem>>) semaphore(%arg17 : memref<!tpu.dma_semaphore, #tpu.memory_space<semaphore_mem>>)
      %mul3A_146 = arith.constant 6 : i32
      %mul3A_147 = arith.muli %scan3A_47, %mul3A_146 : i32
      %add3A_148 = arith.constant 3 : i32
      %add3A_149 = arith.addi %mul3A_147, %add3A_148 : i32
      %mul3A_150 = arith.constant 78 : i32
      %mul3A_151 = arith.muli %add3A, %mul3A_150 : i32
      %add3A_152 = arith.addi %mul3A_151, %add3A_149 : i32
      %mul3A_153 = arith.constant 128 : i32
      %mul3A_154 = arith.muli %add3A_152, %mul3A_153 : i32
      %dma_start3A_155 = arith.constant 3 : i32
      %dma_start3A_156 = arith.constant 0 : i32
      %dma_start3A_157 = arith.constant 0 : i32
      %dma_start3A_158 = tpu.memref_slice %arg10[%dma_start3A_155, %dma_start3A_156, %dma_start3A_157] : memref<6x128x16xf32, #tpu.memory_space<vmem>> -> memref<1x128x16xf32, #tpu.memory_space<vmem>>
      %dma_start3A_159 = tpu.memref_squeeze %dma_start3A_158 : memref<1x128x16xf32, #tpu.memory_space<vmem>> -> memref<128x16xf32, #tpu.memory_space<vmem>>
      %dma_start3A_160 = arith.constant 0 : i32
      %dma_start3A_161 = tpu.memref_slice %arg3[%mul3A_154, %dma_start3A_160] : memref<320000x16xf32, #tpu.memory_space<hbm>> -> memref<128x16xf32, #tpu.memory_space<hbm>>
      %dma_start3A_162 = arith.constant 0 : i32
      %dma_start3A_163 = arith.constant 0 : i32
      %dma_start3A_164 = tpu.memref_slice %arg10[%dma_start3A_155, %dma_start3A_162, %dma_start3A_163] : memref<6x128x16xf32, #tpu.memory_space<vmem>> -> memref<1x128x16xf32, #tpu.memory_space<vmem>>
      %dma_start3A_165 = tpu.memref_squeeze %dma_start3A_164 : memref<1x128x16xf32, #tpu.memory_space<vmem>> -> memref<128x16xf32, #tpu.memory_space<vmem>>
      %dma_start3A_166 = arith.constant 0 : i32
      %dma_start3A_167 = tpu.memref_slice %arg3[%mul3A_154, %dma_start3A_166] : memref<320000x16xf32, #tpu.memory_space<hbm>> -> memref<128x16xf32, #tpu.memory_space<hbm>>
      tpu.enqueue_dma source(%dma_start3A_167 : memref<128x16xf32, #tpu.memory_space<hbm>>) target(%dma_start3A_165 : memref<128x16xf32, #tpu.memory_space<vmem>>) target_semaphore(%arg16 : memref<!tpu.dma_semaphore, #tpu.memory_space<semaphore_mem>>)
      %dma_start3A_168 = arith.constant 3 : i32
      %dma_start3A_169 = arith.constant 0 : i32
      %dma_start3A_170 = arith.constant 0 : i32
      %dma_start3A_171 = tpu.memref_slice %arg11[%dma_start3A_168, %dma_start3A_169, %dma_start3A_170] : memref<6x128x16xf32, #tpu.memory_space<vmem>> -> memref<1x128x16xf32, #tpu.memory_space<vmem>>
      %dma_start3A_172 = tpu.memref_squeeze %dma_start3A_171 : memref<1x128x16xf32, #tpu.memory_space<vmem>> -> memref<128x16xf32, #tpu.memory_space<vmem>>
      %dma_start3A_173 = arith.constant 0 : i32
      %dma_start3A_174 = tpu.memref_slice %arg8[%add3A_149, %dma_start3A_173] : memref<79x128xi32, #tpu.memory_space<vmem>> -> memref<1x128xi32, #tpu.memory_space<vmem>>
      %dma_start3A_175 = tpu.memref_squeeze %dma_start3A_174 : memref<1x128xi32, #tpu.memory_space<vmem>> -> memref<128xi32, #tpu.memory_space<vmem>>
      %dma_start3A_176 = arith.constant 0 : i32
      %dma_start3A_177 = arith.constant 0 : i32
      %dma_start3A_178 = tpu.memref_slice %arg13[%dma_start3A_176, %dma_start3A_177] : memref<10240x16xf32, #tpu.memory_space<vmem_shared>> -> memref<10240x16xf32, #tpu.memory_space<vmem_shared>>
      tpu.enqueue_indirect_dma source(%dma_start3A_178 : memref<10240x16xf32, #tpu.memory_space<vmem_shared>>) target(%dma_start3A_172 : memref<128x16xf32, #tpu.memory_space<vmem>>) offsets(%dma_start3A_175 : memref<128xi32, #tpu.memory_space<vmem>>) semaphore(%arg17 : memref<!tpu.dma_semaphore, #tpu.memory_space<semaphore_mem>>)
      %mul3A_179 = arith.constant 6 : i32
      %mul3A_180 = arith.muli %scan3A_47, %mul3A_179 : i32
      %add3A_181 = arith.constant 4 : i32
      %add3A_182 = arith.addi %mul3A_180, %add3A_181 : i32
      %mul3A_183 = arith.constant 78 : i32
      %mul3A_184 = arith.muli %add3A, %mul3A_183 : i32
      %add3A_185 = arith.addi %mul3A_184, %add3A_182 : i32
      %mul3A_186 = arith.constant 128 : i32
      %mul3A_187 = arith.muli %add3A_185, %mul3A_186 : i32
      %dma_start3A_188 = arith.constant 4 : i32
      %dma_start3A_189 = arith.constant 0 : i32
      %dma_start3A_190 = arith.constant 0 : i32
      %dma_start3A_191 = tpu.memref_slice %arg10[%dma_start3A_188, %dma_start3A_189, %dma_start3A_190] : memref<6x128x16xf32, #tpu.memory_space<vmem>> -> memref<1x128x16xf32, #tpu.memory_space<vmem>>
      %dma_start3A_192 = tpu.memref_squeeze %dma_start3A_191 : memref<1x128x16xf32, #tpu.memory_space<vmem>> -> memref<128x16xf32, #tpu.memory_space<vmem>>
      %dma_start3A_193 = arith.constant 0 : i32
      %dma_start3A_194 = tpu.memref_slice %arg3[%mul3A_187, %dma_start3A_193] : memref<320000x16xf32, #tpu.memory_space<hbm>> -> memref<128x16xf32, #tpu.memory_space<hbm>>
      %dma_start3A_195 = arith.constant 0 : i32
      %dma_start3A_196 = arith.constant 0 : i32
      %dma_start3A_197 = tpu.memref_slice %arg10[%dma_start3A_188, %dma_start3A_195, %dma_start3A_196] : memref<6x128x16xf32, #tpu.memory_space<vmem>> -> memref<1x128x16xf32, #tpu.memory_space<vmem>>
      %dma_start3A_198 = tpu.memref_squeeze %dma_start3A_197 : memref<1x128x16xf32, #tpu.memory_space<vmem>> -> memref<128x16xf32, #tpu.memory_space<vmem>>
      %dma_start3A_199 = arith.constant 0 : i32
      %dma_start3A_200 = tpu.memref_slice %arg3[%mul3A_187, %dma_start3A_199] : memref<320000x16xf32, #tpu.memory_space<hbm>> -> memref<128x16xf32, #tpu.memory_space<hbm>>
      tpu.enqueue_dma source(%dma_start3A_200 : memref<128x16xf32, #tpu.memory_space<hbm>>) target(%dma_start3A_198 : memref<128x16xf32, #tpu.memory_space<vmem>>) target_semaphore(%arg16 : memref<!tpu.dma_semaphore, #tpu.memory_space<semaphore_mem>>)
      %dma_start3A_201 = arith.constant 4 : i32
      %dma_start3A_202 = arith.constant 0 : i32
      %dma_start3A_203 = arith.constant 0 : i32
      %dma_start3A_204 = tpu.memref_slice %arg11[%dma_start3A_201, %dma_start3A_202, %dma_start3A_203] : memref<6x128x16xf32, #tpu.memory_space<vmem>> -> memref<1x128x16xf32, #tpu.memory_space<vmem>>
      %dma_start3A_205 = tpu.memref_squeeze %dma_start3A_204 : memref<1x128x16xf32, #tpu.memory_space<vmem>> -> memref<128x16xf32, #tpu.memory_space<vmem>>
      %dma_start3A_206 = arith.constant 0 : i32
      %dma_start3A_207 = tpu.memref_slice %arg8[%add3A_182, %dma_start3A_206] : memref<79x128xi32, #tpu.memory_space<vmem>> -> memref<1x128xi32, #tpu.memory_space<vmem>>
      %dma_start3A_208 = tpu.memref_squeeze %dma_start3A_207 : memref<1x128xi32, #tpu.memory_space<vmem>> -> memref<128xi32, #tpu.memory_space<vmem>>
      %dma_start3A_209 = arith.constant 0 : i32
      %dma_start3A_210 = arith.constant 0 : i32
      %dma_start3A_211 = tpu.memref_slice %arg13[%dma_start3A_209, %dma_start3A_210] : memref<10240x16xf32, #tpu.memory_space<vmem_shared>> -> memref<10240x16xf32, #tpu.memory_space<vmem_shared>>
      tpu.enqueue_indirect_dma source(%dma_start3A_211 : memref<10240x16xf32, #tpu.memory_space<vmem_shared>>) target(%dma_start3A_205 : memref<128x16xf32, #tpu.memory_space<vmem>>) offsets(%dma_start3A_208 : memref<128xi32, #tpu.memory_space<vmem>>) semaphore(%arg17 : memref<!tpu.dma_semaphore, #tpu.memory_space<semaphore_mem>>)
      %mul3A_212 = arith.constant 6 : i32
      %mul3A_213 = arith.muli %scan3A_47, %mul3A_212 : i32
      %add3A_214 = arith.constant 5 : i32
      %add3A_215 = arith.addi %mul3A_213, %add3A_214 : i32
      %mul3A_216 = arith.constant 78 : i32
      %mul3A_217 = arith.muli %add3A, %mul3A_216 : i32
      %add3A_218 = arith.addi %mul3A_217, %add3A_215 : i32
      %mul3A_219 = arith.constant 128 : i32
      %mul3A_220 = arith.muli %add3A_218, %mul3A_219 : i32
      %dma_start3A_221 = arith.constant 5 : i32
      %dma_start3A_222 = arith.constant 0 : i32
      %dma_start3A_223 = arith.constant 0 : i32
      %dma_start3A_224 = tpu.memref_slice %arg10[%dma_start3A_221, %dma_start3A_222, %dma_start3A_223] : memref<6x128x16xf32, #tpu.memory_space<vmem>> -> memref<1x128x16xf32, #tpu.memory_space<vmem>>
      %dma_start3A_225 = tpu.memref_squeeze %dma_start3A_224 : memref<1x128x16xf32, #tpu.memory_space<vmem>> -> memref<128x16xf32, #tpu.memory_space<vmem>>
      %dma_start3A_226 = arith.constant 0 : i32
      %dma_start3A_227 = tpu.memref_slice %arg3[%mul3A_220, %dma_start3A_226] : memref<320000x16xf32, #tpu.memory_space<hbm>> -> memref<128x16xf32, #tpu.memory_space<hbm>>
      %dma_start3A_228 = arith.constant 0 : i32
      %dma_start3A_229 = arith.constant 0 : i32
      %dma_start3A_230 = tpu.memref_slice %arg10[%dma_start3A_221, %dma_start3A_228, %dma_start3A_229] : memref<6x128x16xf32, #tpu.memory_space<vmem>> -> memref<1x128x16xf32, #tpu.memory_space<vmem>>
      %dma_start3A_231 = tpu.memref_squeeze %dma_start3A_230 : memref<1x128x16xf32, #tpu.memory_space<vmem>> -> memref<128x16xf32, #tpu.memory_space<vmem>>
      %dma_start3A_232 = arith.constant 0 : i32
      %dma_start3A_233 = tpu.memref_slice %arg3[%mul3A_220, %dma_start3A_232] : memref<320000x16xf32, #tpu.memory_space<hbm>> -> memref<128x16xf32, #tpu.memory_space<hbm>>
      tpu.enqueue_dma source(%dma_start3A_233 : memref<128x16xf32, #tpu.memory_space<hbm>>) target(%dma_start3A_231 : memref<128x16xf32, #tpu.memory_space<vmem>>) target_semaphore(%arg16 : memref<!tpu.dma_semaphore, #tpu.memory_space<semaphore_mem>>)
      %dma_start3A_234 = arith.constant 5 : i32
      %dma_start3A_235 = arith.constant 0 : i32
      %dma_start3A_236 = arith.constant 0 : i32
      %dma_start3A_237 = tpu.memref_slice %arg11[%dma_start3A_234, %dma_start3A_235, %dma_start3A_236] : memref<6x128x16xf32, #tpu.memory_space<vmem>> -> memref<1x128x16xf32, #tpu.memory_space<vmem>>
      %dma_start3A_238 = tpu.memref_squeeze %dma_start3A_237 : memref<1x128x16xf32, #tpu.memory_space<vmem>> -> memref<128x16xf32, #tpu.memory_space<vmem>>
      %dma_start3A_239 = arith.constant 0 : i32
      %dma_start3A_240 = tpu.memref_slice %arg8[%add3A_215, %dma_start3A_239] : memref<79x128xi32, #tpu.memory_space<vmem>> -> memref<1x128xi32, #tpu.memory_space<vmem>>
      %dma_start3A_241 = tpu.memref_squeeze %dma_start3A_240 : memref<1x128xi32, #tpu.memory_space<vmem>> -> memref<128xi32, #tpu.memory_space<vmem>>
      %dma_start3A_242 = arith.constant 0 : i32
      %dma_start3A_243 = arith.constant 0 : i32
      %dma_start3A_244 = tpu.memref_slice %arg13[%dma_start3A_242, %dma_start3A_243] : memref<10240x16xf32, #tpu.memory_space<vmem_shared>> -> memref<10240x16xf32, #tpu.memory_space<vmem_shared>>
      tpu.enqueue_indirect_dma source(%dma_start3A_244 : memref<10240x16xf32, #tpu.memory_space<vmem_shared>>) target(%dma_start3A_238 : memref<128x16xf32, #tpu.memory_space<vmem>>) offsets(%dma_start3A_241 : memref<128xi32, #tpu.memory_space<vmem>>) semaphore(%arg17 : memref<!tpu.dma_semaphore, #tpu.memory_space<semaphore_mem>>)
      %dma_wait3A = arith.constant 0 : i32
      %dma_wait3A_245 = arith.constant 0 : i32
      %dma_wait3A_246 = arith.constant 0 : i32
      %dma_wait3A_247 = tpu.memref_slice %arg10[%dma_wait3A, %dma_wait3A_245, %dma_wait3A_246] : memref<6x128x16xf32, #tpu.memory_space<vmem>> -> memref<1x128x16xf32, #tpu.memory_space<vmem>>
      %dma_wait3A_248 = tpu.memref_squeeze %dma_wait3A_247 : memref<1x128x16xf32, #tpu.memory_space<vmem>> -> memref<128x16xf32, #tpu.memory_space<vmem>>
      %dma_wait3A_249 = arith.constant 0 : i32
      %dma_wait3A_250 = tpu.memref_slice %arg3[%mul3A_56, %dma_wait3A_249] : memref<320000x16xf32, #tpu.memory_space<hbm>> -> memref<128x16xf32, #tpu.memory_space<hbm>>
      %dma_wait3A_251 = arith.constant 0 : i32
      %dma_wait3A_252 = arith.constant 0 : i32
      %dma_wait3A_253 = tpu.memref_slice %arg10[%dma_wait3A, %dma_wait3A_251, %dma_wait3A_252] : memref<6x128x16xf32, #tpu.memory_space<vmem>> -> memref<1x128x16xf32, #tpu.memory_space<vmem>>
      %dma_wait3A_254 = tpu.memref_squeeze %dma_wait3A_253 : memref<1x128x16xf32, #tpu.memory_space<vmem>> -> memref<128x16xf32, #tpu.memory_space<vmem>>
      %dma_wait3A_255 = arith.constant 0 : i32
      %dma_wait3A_256 = tpu.memref_slice %arg3[%mul3A_56, %dma_wait3A_255] : memref<320000x16xf32, #tpu.memory_space<hbm>> -> memref<128x16xf32, #tpu.memory_space<hbm>>
      tpu.wait_dma2 semaphore(%arg16 : memref<!tpu.dma_semaphore, #tpu.memory_space<semaphore_mem>>) src(%dma_wait3A_256 : memref<128x16xf32, #tpu.memory_space<hbm>>) dst(%dma_wait3A_254 : memref<128x16xf32, #tpu.memory_space<vmem>>)
      %dma_wait3A_257 = arith.constant 0 : i32
      %dma_wait3A_258 = arith.constant 0 : i32
      %dma_wait3A_259 = arith.constant 0 : i32
      %dma_wait3A_260 = tpu.memref_slice %arg11[%dma_wait3A_257, %dma_wait3A_258, %dma_wait3A_259] : memref<6x128x16xf32, #tpu.memory_space<vmem>> -> memref<1x128x16xf32, #tpu.memory_space<vmem>>
      %dma_wait3A_261 = tpu.memref_squeeze %dma_wait3A_260 : memref<1x128x16xf32, #tpu.memory_space<vmem>> -> memref<128x16xf32, #tpu.memory_space<vmem>>
      %dma_wait3A_262 = arith.constant 0 : i32
      %dma_wait3A_263 = tpu.memref_slice %arg8[%add3A_51, %dma_wait3A_262] : memref<79x128xi32, #tpu.memory_space<vmem>> -> memref<1x128xi32, #tpu.memory_space<vmem>>
      %dma_wait3A_264 = tpu.memref_squeeze %dma_wait3A_263 : memref<1x128xi32, #tpu.memory_space<vmem>> -> memref<128xi32, #tpu.memory_space<vmem>>
      %dma_wait3A_265 = arith.constant 0 : i32
      %dma_wait3A_266 = arith.constant 0 : i32
      %dma_wait3A_267 = tpu.memref_slice %arg13[%dma_wait3A_265, %dma_wait3A_266] : memref<10240x16xf32, #tpu.memory_space<vmem_shared>> -> memref<10240x16xf32, #tpu.memory_space<vmem_shared>>
      tpu.wait_indirect_dma semaphore(%arg17 : memref<!tpu.dma_semaphore, #tpu.memory_space<semaphore_mem>>) src(%dma_wait3A_267 : memref<10240x16xf32, #tpu.memory_space<vmem_shared>>) dst(%dma_wait3A_261 : memref<128x16xf32, #tpu.memory_space<vmem>>)
      %dma_wait3A_268 = arith.constant 1 : i32
      %dma_wait3A_269 = arith.constant 0 : i32
      %dma_wait3A_270 = arith.constant 0 : i32
      %dma_wait3A_271 = tpu.memref_slice %arg10[%dma_wait3A_268, %dma_wait3A_269, %dma_wait3A_270] : memref<6x128x16xf32, #tpu.memory_space<vmem>> -> memref<1x128x16xf32, #tpu.memory_space<vmem>>
      %dma_wait3A_272 = tpu.memref_squeeze %dma_wait3A_271 : memref<1x128x16xf32, #tpu.memory_space<vmem>> -> memref<128x16xf32, #tpu.memory_space<vmem>>
      %dma_wait3A_273 = arith.constant 0 : i32
      %dma_wait3A_274 = tpu.memref_slice %arg3[%mul3A_88, %dma_wait3A_273] : memref<320000x16xf32, #tpu.memory_space<hbm>> -> memref<128x16xf32, #tpu.memory_space<hbm>>
      %dma_wait3A_275 = arith.constant 0 : i32
      %dma_wait3A_276 = arith.constant 0 : i32
      %dma_wait3A_277 = tpu.memref_slice %arg10[%dma_wait3A_268, %dma_wait3A_275, %dma_wait3A_276] : memref<6x128x16xf32, #tpu.memory_space<vmem>> -> memref<1x128x16xf32, #tpu.memory_space<vmem>>
      %dma_wait3A_278 = tpu.memref_squeeze %dma_wait3A_277 : memref<1x128x16xf32, #tpu.memory_space<vmem>> -> memref<128x16xf32, #tpu.memory_space<vmem>>
      %dma_wait3A_279 = arith.constant 0 : i32
      %dma_wait3A_280 = tpu.memref_slice %arg3[%mul3A_88, %dma_wait3A_279] : memref<320000x16xf32, #tpu.memory_space<hbm>> -> memref<128x16xf32, #tpu.memory_space<hbm>>
      tpu.wait_dma2 semaphore(%arg16 : memref<!tpu.dma_semaphore, #tpu.memory_space<semaphore_mem>>) src(%dma_wait3A_280 : memref<128x16xf32, #tpu.memory_space<hbm>>) dst(%dma_wait3A_278 : memref<128x16xf32, #tpu.memory_space<vmem>>)
      %dma_wait3A_281 = arith.constant 1 : i32
      %dma_wait3A_282 = arith.constant 0 : i32
      %dma_wait3A_283 = arith.constant 0 : i32
      %dma_wait3A_284 = tpu.memref_slice %arg11[%dma_wait3A_281, %dma_wait3A_282, %dma_wait3A_283] : memref<6x128x16xf32, #tpu.memory_space<vmem>> -> memref<1x128x16xf32, #tpu.memory_space<vmem>>
      %dma_wait3A_285 = tpu.memref_squeeze %dma_wait3A_284 : memref<1x128x16xf32, #tpu.memory_space<vmem>> -> memref<128x16xf32, #tpu.memory_space<vmem>>
      %dma_wait3A_286 = arith.constant 0 : i32
      %dma_wait3A_287 = tpu.memref_slice %arg8[%add3A_83, %dma_wait3A_286] : memref<79x128xi32, #tpu.memory_space<vmem>> -> memref<1x128xi32, #tpu.memory_space<vmem>>
      %dma_wait3A_288 = tpu.memref_squeeze %dma_wait3A_287 : memref<1x128xi32, #tpu.memory_space<vmem>> -> memref<128xi32, #tpu.memory_space<vmem>>
      %dma_wait3A_289 = arith.constant 0 : i32
      %dma_wait3A_290 = arith.constant 0 : i32
      %dma_wait3A_291 = tpu.memref_slice %arg13[%dma_wait3A_289, %dma_wait3A_290] : memref<10240x16xf32, #tpu.memory_space<vmem_shared>> -> memref<10240x16xf32, #tpu.memory_space<vmem_shared>>
      tpu.wait_indirect_dma semaphore(%arg17 : memref<!tpu.dma_semaphore, #tpu.memory_space<semaphore_mem>>) src(%dma_wait3A_291 : memref<10240x16xf32, #tpu.memory_space<vmem_shared>>) dst(%dma_wait3A_285 : memref<128x16xf32, #tpu.memory_space<vmem>>)
      %dma_wait3A_292 = arith.constant 2 : i32
      %dma_wait3A_293 = arith.constant 0 : i32
      %dma_wait3A_294 = arith.constant 0 : i32
      %dma_wait3A_295 = tpu.memref_slice %arg10[%dma_wait3A_292, %dma_wait3A_293, %dma_wait3A_294] : memref<6x128x16xf32, #tpu.memory_space<vmem>> -> memref<1x128x16xf32, #tpu.memory_space<vmem>>
      %dma_wait3A_296 = tpu.memref_squeeze %dma_wait3A_295 : memref<1x128x16xf32, #tpu.memory_space<vmem>> -> memref<128x16xf32, #tpu.memory_space<vmem>>
      %dma_wait3A_297 = arith.constant 0 : i32
      %dma_wait3A_298 = tpu.memref_slice %arg3[%mul3A_121, %dma_wait3A_297] : memref<320000x16xf32, #tpu.memory_space<hbm>> -> memref<128x16xf32, #tpu.memory_space<hbm>>
      %dma_wait3A_299 = arith.constant 0 : i32
      %dma_wait3A_300 = arith.constant 0 : i32
      %dma_wait3A_301 = tpu.memref_slice %arg10[%dma_wait3A_292, %dma_wait3A_299, %dma_wait3A_300] : memref<6x128x16xf32, #tpu.memory_space<vmem>> -> memref<1x128x16xf32, #tpu.memory_space<vmem>>
      %dma_wait3A_302 = tpu.memref_squeeze %dma_wait3A_301 : memref<1x128x16xf32, #tpu.memory_space<vmem>> -> memref<128x16xf32, #tpu.memory_space<vmem>>
      %dma_wait3A_303 = arith.constant 0 : i32
      %dma_wait3A_304 = tpu.memref_slice %arg3[%mul3A_121, %dma_wait3A_303] : memref<320000x16xf32, #tpu.memory_space<hbm>> -> memref<128x16xf32, #tpu.memory_space<hbm>>
      tpu.wait_dma2 semaphore(%arg16 : memref<!tpu.dma_semaphore, #tpu.memory_space<semaphore_mem>>) src(%dma_wait3A_304 : memref<128x16xf32, #tpu.memory_space<hbm>>) dst(%dma_wait3A_302 : memref<128x16xf32, #tpu.memory_space<vmem>>)
      %dma_wait3A_305 = arith.constant 2 : i32
      %dma_wait3A_306 = arith.constant 0 : i32
      %dma_wait3A_307 = arith.constant 0 : i32
      %dma_wait3A_308 = tpu.memref_slice %arg11[%dma_wait3A_305, %dma_wait3A_306, %dma_wait3A_307] : memref<6x128x16xf32, #tpu.memory_space<vmem>> -> memref<1x128x16xf32, #tpu.memory_space<vmem>>
      %dma_wait3A_309 = tpu.memref_squeeze %dma_wait3A_308 : memref<1x128x16xf32, #tpu.memory_space<vmem>> -> memref<128x16xf32, #tpu.memory_space<vmem>>
      %dma_wait3A_310 = arith.constant 0 : i32
      %dma_wait3A_311 = tpu.memref_slice %arg8[%add3A_116, %dma_wait3A_310] : memref<79x128xi32, #tpu.memory_space<vmem>> -> memref<1x128xi32, #tpu.memory_space<vmem>>
      %dma_wait3A_312 = tpu.memref_squeeze %dma_wait3A_311 : memref<1x128xi32, #tpu.memory_space<vmem>> -> memref<128xi32, #tpu.memory_space<vmem>>
      %dma_wait3A_313 = arith.constant 0 : i32
      %dma_wait3A_314 = arith.constant 0 : i32
      %dma_wait3A_315 = tpu.memref_slice %arg13[%dma_wait3A_313, %dma_wait3A_314] : memref<10240x16xf32, #tpu.memory_space<vmem_shared>> -> memref<10240x16xf32, #tpu.memory_space<vmem_shared>>
      tpu.wait_indirect_dma semaphore(%arg17 : memref<!tpu.dma_semaphore, #tpu.memory_space<semaphore_mem>>) src(%dma_wait3A_315 : memref<10240x16xf32, #tpu.memory_space<vmem_shared>>) dst(%dma_wait3A_309 : memref<128x16xf32, #tpu.memory_space<vmem>>)
      %dma_wait3A_316 = arith.constant 3 : i32
      %dma_wait3A_317 = arith.constant 0 : i32
      %dma_wait3A_318 = arith.constant 0 : i32
      %dma_wait3A_319 = tpu.memref_slice %arg10[%dma_wait3A_316, %dma_wait3A_317, %dma_wait3A_318] : memref<6x128x16xf32, #tpu.memory_space<vmem>> -> memref<1x128x16xf32, #tpu.memory_space<vmem>>
      %dma_wait3A_320 = tpu.memref_squeeze %dma_wait3A_319 : memref<1x128x16xf32, #tpu.memory_space<vmem>> -> memref<128x16xf32, #tpu.memory_space<vmem>>
      %dma_wait3A_321 = arith.constant 0 : i32
      %dma_wait3A_322 = tpu.memref_slice %arg3[%mul3A_154, %dma_wait3A_321] : memref<320000x16xf32, #tpu.memory_space<hbm>> -> memref<128x16xf32, #tpu.memory_space<hbm>>
      %dma_wait3A_323 = arith.constant 0 : i32
      %dma_wait3A_324 = arith.constant 0 : i32
      %dma_wait3A_325 = tpu.memref_slice %arg10[%dma_wait3A_316, %dma_wait3A_323, %dma_wait3A_324] : memref<6x128x16xf32, #tpu.memory_space<vmem>> -> memref<1x128x16xf32, #tpu.memory_space<vmem>>
      %dma_wait3A_326 = tpu.memref_squeeze %dma_wait3A_325 : memref<1x128x16xf32, #tpu.memory_space<vmem>> -> memref<128x16xf32, #tpu.memory_space<vmem>>
      %dma_wait3A_327 = arith.constant 0 : i32
      %dma_wait3A_328 = tpu.memref_slice %arg3[%mul3A_154, %dma_wait3A_327] : memref<320000x16xf32, #tpu.memory_space<hbm>> -> memref<128x16xf32, #tpu.memory_space<hbm>>
      tpu.wait_dma2 semaphore(%arg16 : memref<!tpu.dma_semaphore, #tpu.memory_space<semaphore_mem>>) src(%dma_wait3A_328 : memref<128x16xf32, #tpu.memory_space<hbm>>) dst(%dma_wait3A_326 : memref<128x16xf32, #tpu.memory_space<vmem>>)
      %dma_wait3A_329 = arith.constant 3 : i32
      %dma_wait3A_330 = arith.constant 0 : i32
      %dma_wait3A_331 = arith.constant 0 : i32
      %dma_wait3A_332 = tpu.memref_slice %arg11[%dma_wait3A_329, %dma_wait3A_330, %dma_wait3A_331] : memref<6x128x16xf32, #tpu.memory_space<vmem>> -> memref<1x128x16xf32, #tpu.memory_space<vmem>>
      %dma_wait3A_333 = tpu.memref_squeeze %dma_wait3A_332 : memref<1x128x16xf32, #tpu.memory_space<vmem>> -> memref<128x16xf32, #tpu.memory_space<vmem>>
      %dma_wait3A_334 = arith.constant 0 : i32
      %dma_wait3A_335 = tpu.memref_slice %arg8[%add3A_149, %dma_wait3A_334] : memref<79x128xi32, #tpu.memory_space<vmem>> -> memref<1x128xi32, #tpu.memory_space<vmem>>
      %dma_wait3A_336 = tpu.memref_squeeze %dma_wait3A_335 : memref<1x128xi32, #tpu.memory_space<vmem>> -> memref<128xi32, #tpu.memory_space<vmem>>
      %dma_wait3A_337 = arith.constant 0 : i32
      %dma_wait3A_338 = arith.constant 0 : i32
      %dma_wait3A_339 = tpu.memref_slice %arg13[%dma_wait3A_337, %dma_wait3A_338] : memref<10240x16xf32, #tpu.memory_space<vmem_shared>> -> memref<10240x16xf32, #tpu.memory_space<vmem_shared>>
      tpu.wait_indirect_dma semaphore(%arg17 : memref<!tpu.dma_semaphore, #tpu.memory_space<semaphore_mem>>) src(%dma_wait3A_339 : memref<10240x16xf32, #tpu.memory_space<vmem_shared>>) dst(%dma_wait3A_333 : memref<128x16xf32, #tpu.memory_space<vmem>>)
      %dma_wait3A_340 = arith.constant 4 : i32
      %dma_wait3A_341 = arith.constant 0 : i32
      %dma_wait3A_342 = arith.constant 0 : i32
      %dma_wait3A_343 = tpu.memref_slice %arg10[%dma_wait3A_340, %dma_wait3A_341, %dma_wait3A_342] : memref<6x128x16xf32, #tpu.memory_space<vmem>> -> memref<1x128x16xf32, #tpu.memory_space<vmem>>
      %dma_wait3A_344 = tpu.memref_squeeze %dma_wait3A_343 : memref<1x128x16xf32, #tpu.memory_space<vmem>> -> memref<128x16xf32, #tpu.memory_space<vmem>>
      %dma_wait3A_345 = arith.constant 0 : i32
      %dma_wait3A_346 = tpu.memref_slice %arg3[%mul3A_187, %dma_wait3A_345] : memref<320000x16xf32, #tpu.memory_space<hbm>> -> memref<128x16xf32, #tpu.memory_space<hbm>>
      %dma_wait3A_347 = arith.constant 0 : i32
      %dma_wait3A_348 = arith.constant 0 : i32
      %dma_wait3A_349 = tpu.memref_slice %arg10[%dma_wait3A_340, %dma_wait3A_347, %dma_wait3A_348] : memref<6x128x16xf32, #tpu.memory_space<vmem>> -> memref<1x128x16xf32, #tpu.memory_space<vmem>>
      %dma_wait3A_350 = tpu.memref_squeeze %dma_wait3A_349 : memref<1x128x16xf32, #tpu.memory_space<vmem>> -> memref<128x16xf32, #tpu.memory_space<vmem>>
      %dma_wait3A_351 = arith.constant 0 : i32
      %dma_wait3A_352 = tpu.memref_slice %arg3[%mul3A_187, %dma_wait3A_351] : memref<320000x16xf32, #tpu.memory_space<hbm>> -> memref<128x16xf32, #tpu.memory_space<hbm>>
      tpu.wait_dma2 semaphore(%arg16 : memref<!tpu.dma_semaphore, #tpu.memory_space<semaphore_mem>>) src(%dma_wait3A_352 : memref<128x16xf32, #tpu.memory_space<hbm>>) dst(%dma_wait3A_350 : memref<128x16xf32, #tpu.memory_space<vmem>>)
      %dma_wait3A_353 = arith.constant 4 : i32
      %dma_wait3A_354 = arith.constant 0 : i32
      %dma_wait3A_355 = arith.constant 0 : i32
      %dma_wait3A_356 = tpu.memref_slice %arg11[%dma_wait3A_353, %dma_wait3A_354, %dma_wait3A_355] : memref<6x128x16xf32, #tpu.memory_space<vmem>> -> memref<1x128x16xf32, #tpu.memory_space<vmem>>
      %dma_wait3A_357 = tpu.memref_squeeze %dma_wait3A_356 : memref<1x128x16xf32, #tpu.memory_space<vmem>> -> memref<128x16xf32, #tpu.memory_space<vmem>>
      %dma_wait3A_358 = arith.constant 0 : i32
      %dma_wait3A_359 = tpu.memref_slice %arg8[%add3A_182, %dma_wait3A_358] : memref<79x128xi32, #tpu.memory_space<vmem>> -> memref<1x128xi32, #tpu.memory_space<vmem>>
      %dma_wait3A_360 = tpu.memref_squeeze %dma_wait3A_359 : memref<1x128xi32, #tpu.memory_space<vmem>> -> memref<128xi32, #tpu.memory_space<vmem>>
      %dma_wait3A_361 = arith.constant 0 : i32
      %dma_wait3A_362 = arith.constant 0 : i32
      %dma_wait3A_363 = tpu.memref_slice %arg13[%dma_wait3A_361, %dma_wait3A_362] : memref<10240x16xf32, #tpu.memory_space<vmem_shared>> -> memref<10240x16xf32, #tpu.memory_space<vmem_shared>>
      tpu.wait_indirect_dma semaphore(%arg17 : memref<!tpu.dma_semaphore, #tpu.memory_space<semaphore_mem>>) src(%dma_wait3A_363 : memref<10240x16xf32, #tpu.memory_space<vmem_shared>>) dst(%dma_wait3A_357 : memref<128x16xf32, #tpu.memory_space<vmem>>)
      %dma_wait3A_364 = arith.constant 5 : i32
      %dma_wait3A_365 = arith.constant 0 : i32
      %dma_wait3A_366 = arith.constant 0 : i32
      %dma_wait3A_367 = tpu.memref_slice %arg10[%dma_wait3A_364, %dma_wait3A_365, %dma_wait3A_366] : memref<6x128x16xf32, #tpu.memory_space<vmem>> -> memref<1x128x16xf32, #tpu.memory_space<vmem>>
      %dma_wait3A_368 = tpu.memref_squeeze %dma_wait3A_367 : memref<1x128x16xf32, #tpu.memory_space<vmem>> -> memref<128x16xf32, #tpu.memory_space<vmem>>
      %dma_wait3A_369 = arith.constant 0 : i32
      %dma_wait3A_370 = tpu.memref_slice %arg3[%mul3A_220, %dma_wait3A_369] : memref<320000x16xf32, #tpu.memory_space<hbm>> -> memref<128x16xf32, #tpu.memory_space<hbm>>
      %dma_wait3A_371 = arith.constant 0 : i32
      %dma_wait3A_372 = arith.constant 0 : i32
      %dma_wait3A_373 = tpu.memref_slice %arg10[%dma_wait3A_364, %dma_wait3A_371, %dma_wait3A_372] : memref<6x128x16xf32, #tpu.memory_space<vmem>> -> memref<1x128x16xf32, #tpu.memory_space<vmem>>
      %dma_wait3A_374 = tpu.memref_squeeze %dma_wait3A_373 : memref<1x128x16xf32, #tpu.memory_space<vmem>> -> memref<128x16xf32, #tpu.memory_space<vmem>>
      %dma_wait3A_375 = arith.constant 0 : i32
      %dma_wait3A_376 = tpu.memref_slice %arg3[%mul3A_220, %dma_wait3A_375] : memref<320000x16xf32, #tpu.memory_space<hbm>> -> memref<128x16xf32, #tpu.memory_space<hbm>>
      tpu.wait_dma2 semaphore(%arg16 : memref<!tpu.dma_semaphore, #tpu.memory_space<semaphore_mem>>) src(%dma_wait3A_376 : memref<128x16xf32, #tpu.memory_space<hbm>>) dst(%dma_wait3A_374 : memref<128x16xf32, #tpu.memory_space<vmem>>)
      %dma_wait3A_377 = arith.constant 5 : i32
      %dma_wait3A_378 = arith.constant 0 : i32
      %dma_wait3A_379 = arith.constant 0 : i32
      %dma_wait3A_380 = tpu.memref_slice %arg11[%dma_wait3A_377, %dma_wait3A_378, %dma_wait3A_379] : memref<6x128x16xf32, #tpu.memory_space<vmem>> -> memref<1x128x16xf32, #tpu.memory_space<vmem>>
      %dma_wait3A_381 = tpu.memref_squeeze %dma_wait3A_380 : memref<1x128x16xf32, #tpu.memory_space<vmem>> -> memref<128x16xf32, #tpu.memory_space<vmem>>
      %dma_wait3A_382 = arith.constant 0 : i32
      %dma_wait3A_383 = tpu.memref_slice %arg8[%add3A_215, %dma_wait3A_382] : memref<79x128xi32, #tpu.memory_space<vmem>> -> memref<1x128xi32, #tpu.memory_space<vmem>>
      %dma_wait3A_384 = tpu.memref_squeeze %dma_wait3A_383 : memref<1x128xi32, #tpu.memory_space<vmem>> -> memref<128xi32, #tpu.memory_space<vmem>>
      %dma_wait3A_385 = arith.constant 0 : i32
      %dma_wait3A_386 = arith.constant 0 : i32
      %dma_wait3A_387 = tpu.memref_slice %arg13[%dma_wait3A_385, %dma_wait3A_386] : memref<10240x16xf32, #tpu.memory_space<vmem_shared>> -> memref<10240x16xf32, #tpu.memory_space<vmem_shared>>
      tpu.wait_indirect_dma semaphore(%arg17 : memref<!tpu.dma_semaphore, #tpu.memory_space<semaphore_mem>>) src(%dma_wait3A_387 : memref<10240x16xf32, #tpu.memory_space<vmem_shared>>) dst(%dma_wait3A_381 : memref<128x16xf32, #tpu.memory_space<vmem>>)
      %mul3A_388 = arith.constant 6 : i32
      %mul3A_389 = arith.muli %scan3A_47, %mul3A_388 : i32
      %add3A_390 = arith.constant 0 : i32
      %add3A_391 = arith.addi %mul3A_389, %add3A_390 : i32
      %dma_start3A_392 = arith.constant 0 : i32
      %dma_start3A_393 = arith.constant 0 : i32
      %dma_start3A_394 = arith.constant 0 : i32
      %dma_start3A_395 = tpu.memref_slice %arg10[%dma_start3A_392, %dma_start3A_393, %dma_start3A_394] : memref<6x128x16xf32, #tpu.memory_space<vmem>> -> memref<1x128x16xf32, #tpu.memory_space<vmem>>
      %dma_start3A_396 = tpu.memref_squeeze %dma_start3A_395 : memref<1x128x16xf32, #tpu.memory_space<vmem>> -> memref<128x16xf32, #tpu.memory_space<vmem>>
      %dma_start3A_397 = arith.constant 0 : i32
      %dma_start3A_398 = tpu.memref_slice %arg9[%add3A_391, %dma_start3A_397] : memref<79x128xi32, #tpu.memory_space<vmem>> -> memref<1x128xi32, #tpu.memory_space<vmem>>
      %dma_start3A_399 = tpu.memref_squeeze %dma_start3A_398 : memref<1x128xi32, #tpu.memory_space<vmem>> -> memref<128xi32, #tpu.memory_space<vmem>>
      %dma_start3A_400 = arith.constant 0 : i32
      %dma_start3A_401 = arith.constant 0 : i32
      %dma_start3A_402 = tpu.memref_slice %arg15[%dma_start3A_400, %dma_start3A_401] : memref<10240x16xf32, #tpu.memory_space<vmem_shared>> -> memref<10240x16xf32, #tpu.memory_space<vmem_shared>>
      tpu.enqueue_indirect_dma source(%dma_start3A_396 : memref<128x16xf32, #tpu.memory_space<vmem>>) target(%dma_start3A_402 : memref<10240x16xf32, #tpu.memory_space<vmem_shared>>) offsets(%dma_start3A_399 : memref<128xi32, #tpu.memory_space<vmem>>) semaphore(%arg18 : memref<!tpu.dma_semaphore, #tpu.memory_space<semaphore_mem>>) {add = true}
      %dma_start3A_403 = arith.constant 0 : i32
      %dma_start3A_404 = arith.constant 0 : i32
      %dma_start3A_405 = arith.constant 0 : i32
      %dma_start3A_406 = tpu.memref_slice %arg11[%dma_start3A_403, %dma_start3A_404, %dma_start3A_405] : memref<6x128x16xf32, #tpu.memory_space<vmem>> -> memref<1x128x16xf32, #tpu.memory_space<vmem>>
      %dma_start3A_407 = tpu.memref_squeeze %dma_start3A_406 : memref<1x128x16xf32, #tpu.memory_space<vmem>> -> memref<128x16xf32, #tpu.memory_space<vmem>>
      %dma_start3A_408 = arith.constant 0 : i32
      %dma_start3A_409 = tpu.memref_slice %arg9[%add3A_391, %dma_start3A_408] : memref<79x128xi32, #tpu.memory_space<vmem>> -> memref<1x128xi32, #tpu.memory_space<vmem>>
      %dma_start3A_410 = tpu.memref_squeeze %dma_start3A_409 : memref<1x128xi32, #tpu.memory_space<vmem>> -> memref<128xi32, #tpu.memory_space<vmem>>
      %dma_start3A_411 = arith.constant 0 : i32
      %dma_start3A_412 = arith.constant 0 : i32
      %dma_start3A_413 = tpu.memref_slice %arg14[%dma_start3A_411, %dma_start3A_412] : memref<10240x16xf32, #tpu.memory_space<vmem_shared>> -> memref<10240x16xf32, #tpu.memory_space<vmem_shared>>
      tpu.enqueue_indirect_dma source(%dma_start3A_407 : memref<128x16xf32, #tpu.memory_space<vmem>>) target(%dma_start3A_413 : memref<10240x16xf32, #tpu.memory_space<vmem_shared>>) offsets(%dma_start3A_410 : memref<128xi32, #tpu.memory_space<vmem>>) semaphore(%arg18 : memref<!tpu.dma_semaphore, #tpu.memory_space<semaphore_mem>>) {add = true}
      %mul3A_414 = arith.constant 6 : i32
      %mul3A_415 = arith.muli %scan3A_47, %mul3A_414 : i32
      %add3A_416 = arith.constant 1 : i32
      %add3A_417 = arith.addi %mul3A_415, %add3A_416 : i32
      %dma_start3A_418 = arith.constant 1 : i32
      %dma_start3A_419 = arith.constant 0 : i32
      %dma_start3A_420 = arith.constant 0 : i32
      %dma_start3A_421 = tpu.memref_slice %arg10[%dma_start3A_418, %dma_start3A_419, %dma_start3A_420] : memref<6x128x16xf32, #tpu.memory_space<vmem>> -> memref<1x128x16xf32, #tpu.memory_space<vmem>>
      %dma_start3A_422 = tpu.memref_squeeze %dma_start3A_421 : memref<1x128x16xf32, #tpu.memory_space<vmem>> -> memref<128x16xf32, #tpu.memory_space<vmem>>
      %dma_start3A_423 = arith.constant 0 : i32
      %dma_start3A_424 = tpu.memref_slice %arg9[%add3A_417, %dma_start3A_423] : memref<79x128xi32, #tpu.memory_space<vmem>> -> memref<1x128xi32, #tpu.memory_space<vmem>>
      %dma_start3A_425 = tpu.memref_squeeze %dma_start3A_424 : memref<1x128xi32, #tpu.memory_space<vmem>> -> memref<128xi32, #tpu.memory_space<vmem>>
      %dma_start3A_426 = arith.constant 0 : i32
      %dma_start3A_427 = arith.constant 0 : i32
      %dma_start3A_428 = tpu.memref_slice %arg15[%dma_start3A_426, %dma_start3A_427] : memref<10240x16xf32, #tpu.memory_space<vmem_shared>> -> memref<10240x16xf32, #tpu.memory_space<vmem_shared>>
      tpu.enqueue_indirect_dma source(%dma_start3A_422 : memref<128x16xf32, #tpu.memory_space<vmem>>) target(%dma_start3A_428 : memref<10240x16xf32, #tpu.memory_space<vmem_shared>>) offsets(%dma_start3A_425 : memref<128xi32, #tpu.memory_space<vmem>>) semaphore(%arg18 : memref<!tpu.dma_semaphore, #tpu.memory_space<semaphore_mem>>) {add = true}
      %dma_start3A_429 = arith.constant 1 : i32
      %dma_start3A_430 = arith.constant 0 : i32
      %dma_start3A_431 = arith.constant 0 : i32
      %dma_start3A_432 = tpu.memref_slice %arg11[%dma_start3A_429, %dma_start3A_430, %dma_start3A_431] : memref<6x128x16xf32, #tpu.memory_space<vmem>> -> memref<1x128x16xf32, #tpu.memory_space<vmem>>
      %dma_start3A_433 = tpu.memref_squeeze %dma_start3A_432 : memref<1x128x16xf32, #tpu.memory_space<vmem>> -> memref<128x16xf32, #tpu.memory_space<vmem>>
      %dma_start3A_434 = arith.constant 0 : i32
      %dma_start3A_435 = tpu.memref_slice %arg9[%add3A_417, %dma_start3A_434] : memref<79x128xi32, #tpu.memory_space<vmem>> -> memref<1x128xi32, #tpu.memory_space<vmem>>
      %dma_start3A_436 = tpu.memref_squeeze %dma_start3A_435 : memref<1x128xi32, #tpu.memory_space<vmem>> -> memref<128xi32, #tpu.memory_space<vmem>>
      %dma_start3A_437 = arith.constant 0 : i32
      %dma_start3A_438 = arith.constant 0 : i32
      %dma_start3A_439 = tpu.memref_slice %arg14[%dma_start3A_437, %dma_start3A_438] : memref<10240x16xf32, #tpu.memory_space<vmem_shared>> -> memref<10240x16xf32, #tpu.memory_space<vmem_shared>>
      tpu.enqueue_indirect_dma source(%dma_start3A_433 : memref<128x16xf32, #tpu.memory_space<vmem>>) target(%dma_start3A_439 : memref<10240x16xf32, #tpu.memory_space<vmem_shared>>) offsets(%dma_start3A_436 : memref<128xi32, #tpu.memory_space<vmem>>) semaphore(%arg18 : memref<!tpu.dma_semaphore, #tpu.memory_space<semaphore_mem>>) {add = true}
      %mul3A_440 = arith.constant 6 : i32
      %mul3A_441 = arith.muli %scan3A_47, %mul3A_440 : i32
      %add3A_442 = arith.constant 2 : i32
      %add3A_443 = arith.addi %mul3A_441, %add3A_442 : i32
      %dma_start3A_444 = arith.constant 2 : i32
      %dma_start3A_445 = arith.constant 0 : i32
      %dma_start3A_446 = arith.constant 0 : i32
      %dma_start3A_447 = tpu.memref_slice %arg10[%dma_start3A_444, %dma_start3A_445, %dma_start3A_446] : memref<6x128x16xf32, #tpu.memory_space<vmem>> -> memref<1x128x16xf32, #tpu.memory_space<vmem>>
      %dma_start3A_448 = tpu.memref_squeeze %dma_start3A_447 : memref<1x128x16xf32, #tpu.memory_space<vmem>> -> memref<128x16xf32, #tpu.memory_space<vmem>>
      %dma_start3A_449 = arith.constant 0 : i32
      %dma_start3A_450 = tpu.memref_slice %arg9[%add3A_443, %dma_start3A_449] : memref<79x128xi32, #tpu.memory_space<vmem>> -> memref<1x128xi32, #tpu.memory_space<vmem>>
      %dma_start3A_451 = tpu.memref_squeeze %dma_start3A_450 : memref<1x128xi32, #tpu.memory_space<vmem>> -> memref<128xi32, #tpu.memory_space<vmem>>
      %dma_start3A_452 = arith.constant 0 : i32
      %dma_start3A_453 = arith.constant 0 : i32
      %dma_start3A_454 = tpu.memref_slice %arg15[%dma_start3A_452, %dma_start3A_453] : memref<10240x16xf32, #tpu.memory_space<vmem_shared>> -> memref<10240x16xf32, #tpu.memory_space<vmem_shared>>
      tpu.enqueue_indirect_dma source(%dma_start3A_448 : memref<128x16xf32, #tpu.memory_space<vmem>>) target(%dma_start3A_454 : memref<10240x16xf32, #tpu.memory_space<vmem_shared>>) offsets(%dma_start3A_451 : memref<128xi32, #tpu.memory_space<vmem>>) semaphore(%arg18 : memref<!tpu.dma_semaphore, #tpu.memory_space<semaphore_mem>>) {add = true}
      %dma_start3A_455 = arith.constant 2 : i32
      %dma_start3A_456 = arith.constant 0 : i32
      %dma_start3A_457 = arith.constant 0 : i32
      %dma_start3A_458 = tpu.memref_slice %arg11[%dma_start3A_455, %dma_start3A_456, %dma_start3A_457] : memref<6x128x16xf32, #tpu.memory_space<vmem>> -> memref<1x128x16xf32, #tpu.memory_space<vmem>>
      %dma_start3A_459 = tpu.memref_squeeze %dma_start3A_458 : memref<1x128x16xf32, #tpu.memory_space<vmem>> -> memref<128x16xf32, #tpu.memory_space<vmem>>
      %dma_start3A_460 = arith.constant 0 : i32
      %dma_start3A_461 = tpu.memref_slice %arg9[%add3A_443, %dma_start3A_460] : memref<79x128xi32, #tpu.memory_space<vmem>> -> memref<1x128xi32, #tpu.memory_space<vmem>>
      %dma_start3A_462 = tpu.memref_squeeze %dma_start3A_461 : memref<1x128xi32, #tpu.memory_space<vmem>> -> memref<128xi32, #tpu.memory_space<vmem>>
      %dma_start3A_463 = arith.constant 0 : i32
      %dma_start3A_464 = arith.constant 0 : i32
      %dma_start3A_465 = tpu.memref_slice %arg14[%dma_start3A_463, %dma_start3A_464] : memref<10240x16xf32, #tpu.memory_space<vmem_shared>> -> memref<10240x16xf32, #tpu.memory_space<vmem_shared>>
      tpu.enqueue_indirect_dma source(%dma_start3A_459 : memref<128x16xf32, #tpu.memory_space<vmem>>) target(%dma_start3A_465 : memref<10240x16xf32, #tpu.memory_space<vmem_shared>>) offsets(%dma_start3A_462 : memref<128xi32, #tpu.memory_space<vmem>>) semaphore(%arg18 : memref<!tpu.dma_semaphore, #tpu.memory_space<semaphore_mem>>) {add = true}
      %mul3A_466 = arith.constant 6 : i32
      %mul3A_467 = arith.muli %scan3A_47, %mul3A_466 : i32
      %add3A_468 = arith.constant 3 : i32
      %add3A_469 = arith.addi %mul3A_467, %add3A_468 : i32
      %dma_start3A_470 = arith.constant 3 : i32
      %dma_start3A_471 = arith.constant 0 : i32
      %dma_start3A_472 = arith.constant 0 : i32
      %dma_start3A_473 = tpu.memref_slice %arg10[%dma_start3A_470, %dma_start3A_471, %dma_start3A_472] : memref<6x128x16xf32, #tpu.memory_space<vmem>> -> memref<1x128x16xf32, #tpu.memory_space<vmem>>
      %dma_start3A_474 = tpu.memref_squeeze %dma_start3A_473 : memref<1x128x16xf32, #tpu.memory_space<vmem>> -> memref<128x16xf32, #tpu.memory_space<vmem>>
      %dma_start3A_475 = arith.constant 0 : i32
      %dma_start3A_476 = tpu.memref_slice %arg9[%add3A_469, %dma_start3A_475] : memref<79x128xi32, #tpu.memory_space<vmem>> -> memref<1x128xi32, #tpu.memory_space<vmem>>
      %dma_start3A_477 = tpu.memref_squeeze %dma_start3A_476 : memref<1x128xi32, #tpu.memory_space<vmem>> -> memref<128xi32, #tpu.memory_space<vmem>>
      %dma_start3A_478 = arith.constant 0 : i32
      %dma_start3A_479 = arith.constant 0 : i32
      %dma_start3A_480 = tpu.memref_slice %arg15[%dma_start3A_478, %dma_start3A_479] : memref<10240x16xf32, #tpu.memory_space<vmem_shared>> -> memref<10240x16xf32, #tpu.memory_space<vmem_shared>>
      tpu.enqueue_indirect_dma source(%dma_start3A_474 : memref<128x16xf32, #tpu.memory_space<vmem>>) target(%dma_start3A_480 : memref<10240x16xf32, #tpu.memory_space<vmem_shared>>) offsets(%dma_start3A_477 : memref<128xi32, #tpu.memory_space<vmem>>) semaphore(%arg18 : memref<!tpu.dma_semaphore, #tpu.memory_space<semaphore_mem>>) {add = true}
      %dma_start3A_481 = arith.constant 3 : i32
      %dma_start3A_482 = arith.constant 0 : i32
      %dma_start3A_483 = arith.constant 0 : i32
      %dma_start3A_484 = tpu.memref_slice %arg11[%dma_start3A_481, %dma_start3A_482, %dma_start3A_483] : memref<6x128x16xf32, #tpu.memory_space<vmem>> -> memref<1x128x16xf32, #tpu.memory_space<vmem>>
      %dma_start3A_485 = tpu.memref_squeeze %dma_start3A_484 : memref<1x128x16xf32, #tpu.memory_space<vmem>> -> memref<128x16xf32, #tpu.memory_space<vmem>>
      %dma_start3A_486 = arith.constant 0 : i32
      %dma_start3A_487 = tpu.memref_slice %arg9[%add3A_469, %dma_start3A_486] : memref<79x128xi32, #tpu.memory_space<vmem>> -> memref<1x128xi32, #tpu.memory_space<vmem>>
      %dma_start3A_488 = tpu.memref_squeeze %dma_start3A_487 : memref<1x128xi32, #tpu.memory_space<vmem>> -> memref<128xi32, #tpu.memory_space<vmem>>
      %dma_start3A_489 = arith.constant 0 : i32
      %dma_start3A_490 = arith.constant 0 : i32
      %dma_start3A_491 = tpu.memref_slice %arg14[%dma_start3A_489, %dma_start3A_490] : memref<10240x16xf32, #tpu.memory_space<vmem_shared>> -> memref<10240x16xf32, #tpu.memory_space<vmem_shared>>
      tpu.enqueue_indirect_dma source(%dma_start3A_485 : memref<128x16xf32, #tpu.memory_space<vmem>>) target(%dma_start3A_491 : memref<10240x16xf32, #tpu.memory_space<vmem_shared>>) offsets(%dma_start3A_488 : memref<128xi32, #tpu.memory_space<vmem>>) semaphore(%arg18 : memref<!tpu.dma_semaphore, #tpu.memory_space<semaphore_mem>>) {add = true}
      %mul3A_492 = arith.constant 6 : i32
      %mul3A_493 = arith.muli %scan3A_47, %mul3A_492 : i32
      %add3A_494 = arith.constant 4 : i32
      %add3A_495 = arith.addi %mul3A_493, %add3A_494 : i32
      %dma_start3A_496 = arith.constant 4 : i32
      %dma_start3A_497 = arith.constant 0 : i32
      %dma_start3A_498 = arith.constant 0 : i32
      %dma_start3A_499 = tpu.memref_slice %arg10[%dma_start3A_496, %dma_start3A_497, %dma_start3A_498] : memref<6x128x16xf32, #tpu.memory_space<vmem>> -> memref<1x128x16xf32, #tpu.memory_space<vmem>>
      %dma_start3A_500 = tpu.memref_squeeze %dma_start3A_499 : memref<1x128x16xf32, #tpu.memory_space<vmem>> -> memref<128x16xf32, #tpu.memory_space<vmem>>
      %dma_start3A_501 = arith.constant 0 : i32
      %dma_start3A_502 = tpu.memref_slice %arg9[%add3A_495, %dma_start3A_501] : memref<79x128xi32, #tpu.memory_space<vmem>> -> memref<1x128xi32, #tpu.memory_space<vmem>>
      %dma_start3A_503 = tpu.memref_squeeze %dma_start3A_502 : memref<1x128xi32, #tpu.memory_space<vmem>> -> memref<128xi32, #tpu.memory_space<vmem>>
      %dma_start3A_504 = arith.constant 0 : i32
      %dma_start3A_505 = arith.constant 0 : i32
      %dma_start3A_506 = tpu.memref_slice %arg15[%dma_start3A_504, %dma_start3A_505] : memref<10240x16xf32, #tpu.memory_space<vmem_shared>> -> memref<10240x16xf32, #tpu.memory_space<vmem_shared>>
      tpu.enqueue_indirect_dma source(%dma_start3A_500 : memref<128x16xf32, #tpu.memory_space<vmem>>) target(%dma_start3A_506 : memref<10240x16xf32, #tpu.memory_space<vmem_shared>>) offsets(%dma_start3A_503 : memref<128xi32, #tpu.memory_space<vmem>>) semaphore(%arg18 : memref<!tpu.dma_semaphore, #tpu.memory_space<semaphore_mem>>) {add = true}
      %dma_start3A_507 = arith.constant 4 : i32
      %dma_start3A_508 = arith.constant 0 : i32
      %dma_start3A_509 = arith.constant 0 : i32
      %dma_start3A_510 = tpu.memref_slice %arg11[%dma_start3A_507, %dma_start3A_508, %dma_start3A_509] : memref<6x128x16xf32, #tpu.memory_space<vmem>> -> memref<1x128x16xf32, #tpu.memory_space<vmem>>
      %dma_start3A_511 = tpu.memref_squeeze %dma_start3A_510 : memref<1x128x16xf32, #tpu.memory_space<vmem>> -> memref<128x16xf32, #tpu.memory_space<vmem>>
      %dma_start3A_512 = arith.constant 0 : i32
      %dma_start3A_513 = tpu.memref_slice %arg9[%add3A_495, %dma_start3A_512] : memref<79x128xi32, #tpu.memory_space<vmem>> -> memref<1x128xi32, #tpu.memory_space<vmem>>
      %dma_start3A_514 = tpu.memref_squeeze %dma_start3A_513 : memref<1x128xi32, #tpu.memory_space<vmem>> -> memref<128xi32, #tpu.memory_space<vmem>>
      %dma_start3A_515 = arith.constant 0 : i32
      %dma_start3A_516 = arith.constant 0 : i32
      %dma_start3A_517 = tpu.memref_slice %arg14[%dma_start3A_515, %dma_start3A_516] : memref<10240x16xf32, #tpu.memory_space<vmem_shared>> -> memref<10240x16xf32, #tpu.memory_space<vmem_shared>>
      tpu.enqueue_indirect_dma source(%dma_start3A_511 : memref<128x16xf32, #tpu.memory_space<vmem>>) target(%dma_start3A_517 : memref<10240x16xf32, #tpu.memory_space<vmem_shared>>) offsets(%dma_start3A_514 : memref<128xi32, #tpu.memory_space<vmem>>) semaphore(%arg18 : memref<!tpu.dma_semaphore, #tpu.memory_space<semaphore_mem>>) {add = true}
      %mul3A_518 = arith.constant 6 : i32
      %mul3A_519 = arith.muli %scan3A_47, %mul3A_518 : i32
      %add3A_520 = arith.constant 5 : i32
      %add3A_521 = arith.addi %mul3A_519, %add3A_520 : i32
      %dma_start3A_522 = arith.constant 5 : i32
      %dma_start3A_523 = arith.constant 0 : i32
      %dma_start3A_524 = arith.constant 0 : i32
      %dma_start3A_525 = tpu.memref_slice %arg10[%dma_start3A_522, %dma_start3A_523, %dma_start3A_524] : memref<6x128x16xf32, #tpu.memory_space<vmem>> -> memref<1x128x16xf32, #tpu.memory_space<vmem>>
      %dma_start3A_526 = tpu.memref_squeeze %dma_start3A_525 : memref<1x128x16xf32, #tpu.memory_space<vmem>> -> memref<128x16xf32, #tpu.memory_space<vmem>>
      %dma_start3A_527 = arith.constant 0 : i32
      %dma_start3A_528 = tpu.memref_slice %arg9[%add3A_521, %dma_start3A_527] : memref<79x128xi32, #tpu.memory_space<vmem>> -> memref<1x128xi32, #tpu.memory_space<vmem>>
      %dma_start3A_529 = tpu.memref_squeeze %dma_start3A_528 : memref<1x128xi32, #tpu.memory_space<vmem>> -> memref<128xi32, #tpu.memory_space<vmem>>
      %dma_start3A_530 = arith.constant 0 : i32
      %dma_start3A_531 = arith.constant 0 : i32
      %dma_start3A_532 = tpu.memref_slice %arg15[%dma_start3A_530, %dma_start3A_531] : memref<10240x16xf32, #tpu.memory_space<vmem_shared>> -> memref<10240x16xf32, #tpu.memory_space<vmem_shared>>
      tpu.enqueue_indirect_dma source(%dma_start3A_526 : memref<128x16xf32, #tpu.memory_space<vmem>>) target(%dma_start3A_532 : memref<10240x16xf32, #tpu.memory_space<vmem_shared>>) offsets(%dma_start3A_529 : memref<128xi32, #tpu.memory_space<vmem>>) semaphore(%arg18 : memref<!tpu.dma_semaphore, #tpu.memory_space<semaphore_mem>>) {add = true}
      %dma_start3A_533 = arith.constant 5 : i32
      %dma_start3A_534 = arith.constant 0 : i32
      %dma_start3A_535 = arith.constant 0 : i32
      %dma_start3A_536 = tpu.memref_slice %arg11[%dma_start3A_533, %dma_start3A_534, %dma_start3A_535] : memref<6x128x16xf32, #tpu.memory_space<vmem>> -> memref<1x128x16xf32, #tpu.memory_space<vmem>>
      %dma_start3A_537 = tpu.memref_squeeze %dma_start3A_536 : memref<1x128x16xf32, #tpu.memory_space<vmem>> -> memref<128x16xf32, #tpu.memory_space<vmem>>
      %dma_start3A_538 = arith.constant 0 : i32
      %dma_start3A_539 = tpu.memref_slice %arg9[%add3A_521, %dma_start3A_538] : memref<79x128xi32, #tpu.memory_space<vmem>> -> memref<1x128xi32, #tpu.memory_space<vmem>>
      %dma_start3A_540 = tpu.memref_squeeze %dma_start3A_539 : memref<1x128xi32, #tpu.memory_space<vmem>> -> memref<128xi32, #tpu.memory_space<vmem>>
      %dma_start3A_541 = arith.constant 0 : i32
      %dma_start3A_542 = arith.constant 0 : i32
      %dma_start3A_543 = tpu.memref_slice %arg14[%dma_start3A_541, %dma_start3A_542] : memref<10240x16xf32, #tpu.memory_space<vmem_shared>> -> memref<10240x16xf32, #tpu.memory_space<vmem_shared>>
      tpu.enqueue_indirect_dma source(%dma_start3A_537 : memref<128x16xf32, #tpu.memory_space<vmem>>) target(%dma_start3A_543 : memref<10240x16xf32, #tpu.memory_space<vmem_shared>>) offsets(%dma_start3A_540 : memref<128xi32, #tpu.memory_space<vmem>>) semaphore(%arg18 : memref<!tpu.dma_semaphore, #tpu.memory_space<semaphore_mem>>) {add = true}
      %dma_wait3A_544 = arith.constant 0 : i32
      %dma_wait3A_545 = arith.constant 0 : i32
      %dma_wait3A_546 = arith.constant 0 : i32
      %dma_wait3A_547 = tpu.memref_slice %arg10[%dma_wait3A_544, %dma_wait3A_545, %dma_wait3A_546] : memref<6x128x16xf32, #tpu.memory_space<vmem>> -> memref<1x128x16xf32, #tpu.memory_space<vmem>>
      %dma_wait3A_548 = tpu.memref_squeeze %dma_wait3A_547 : memref<1x128x16xf32, #tpu.memory_space<vmem>> -> memref<128x16xf32, #tpu.memory_space<vmem>>
      %dma_wait3A_549 = arith.constant 0 : i32
      %dma_wait3A_550 = tpu.memref_slice %arg9[%add3A_391, %dma_wait3A_549] : memref<79x128xi32, #tpu.memory_space<vmem>> -> memref<1x128xi32, #tpu.memory_space<vmem>>
      %dma_wait3A_551 = tpu.memref_squeeze %dma_wait3A_550 : memref<1x128xi32, #tpu.memory_space<vmem>> -> memref<128xi32, #tpu.memory_space<vmem>>
      %dma_wait3A_552 = arith.constant 0 : i32
      %dma_wait3A_553 = arith.constant 0 : i32
      %dma_wait3A_554 = tpu.memref_slice %arg15[%dma_wait3A_552, %dma_wait3A_553] : memref<10240x16xf32, #tpu.memory_space<vmem_shared>> -> memref<10240x16xf32, #tpu.memory_space<vmem_shared>>
      tpu.wait_indirect_dma semaphore(%arg18 : memref<!tpu.dma_semaphore, #tpu.memory_space<semaphore_mem>>) src(%dma_wait3A_548 : memref<128x16xf32, #tpu.memory_space<vmem>>) dst(%dma_wait3A_554 : memref<10240x16xf32, #tpu.memory_space<vmem_shared>>)
      %dma_wait3A_555 = arith.constant 0 : i32
      %dma_wait3A_556 = arith.constant 0 : i32
      %dma_wait3A_557 = arith.constant 0 : i32
      %dma_wait3A_558 = tpu.memref_slice %arg11[%dma_wait3A_555, %dma_wait3A_556, %dma_wait3A_557] : memref<6x128x16xf32, #tpu.memory_space<vmem>> -> memref<1x128x16xf32, #tpu.memory_space<vmem>>
      %dma_wait3A_559 = tpu.memref_squeeze %dma_wait3A_558 : memref<1x128x16xf32, #tpu.memory_space<vmem>> -> memref<128x16xf32, #tpu.memory_space<vmem>>
      %dma_wait3A_560 = arith.constant 0 : i32
      %dma_wait3A_561 = tpu.memref_slice %arg9[%add3A_391, %dma_wait3A_560] : memref<79x128xi32, #tpu.memory_space<vmem>> -> memref<1x128xi32, #tpu.memory_space<vmem>>
      %dma_wait3A_562 = tpu.memref_squeeze %dma_wait3A_561 : memref<1x128xi32, #tpu.memory_space<vmem>> -> memref<128xi32, #tpu.memory_space<vmem>>
      %dma_wait3A_563 = arith.constant 0 : i32
      %dma_wait3A_564 = arith.constant 0 : i32
      %dma_wait3A_565 = tpu.memref_slice %arg14[%dma_wait3A_563, %dma_wait3A_564] : memref<10240x16xf32, #tpu.memory_space<vmem_shared>> -> memref<10240x16xf32, #tpu.memory_space<vmem_shared>>
      tpu.wait_indirect_dma semaphore(%arg18 : memref<!tpu.dma_semaphore, #tpu.memory_space<semaphore_mem>>) src(%dma_wait3A_559 : memref<128x16xf32, #tpu.memory_space<vmem>>) dst(%dma_wait3A_565 : memref<10240x16xf32, #tpu.memory_space<vmem_shared>>)
      %dma_wait3A_566 = arith.constant 1 : i32
      %dma_wait3A_567 = arith.constant 0 : i32
      %dma_wait3A_568 = arith.constant 0 : i32
      %dma_wait3A_569 = tpu.memref_slice %arg10[%dma_wait3A_566, %dma_wait3A_567, %dma_wait3A_568] : memref<6x128x16xf32, #tpu.memory_space<vmem>> -> memref<1x128x16xf32, #tpu.memory_space<vmem>>
      %dma_wait3A_570 = tpu.memref_squeeze %dma_wait3A_569 : memref<1x128x16xf32, #tpu.memory_space<vmem>> -> memref<128x16xf32, #tpu.memory_space<vmem>>
      %dma_wait3A_571 = arith.constant 0 : i32
      %dma_wait3A_572 = tpu.memref_slice %arg9[%add3A_417, %dma_wait3A_571] : memref<79x128xi32, #tpu.memory_space<vmem>> -> memref<1x128xi32, #tpu.memory_space<vmem>>
      %dma_wait3A_573 = tpu.memref_squeeze %dma_wait3A_572 : memref<1x128xi32, #tpu.memory_space<vmem>> -> memref<128xi32, #tpu.memory_space<vmem>>
      %dma_wait3A_574 = arith.constant 0 : i32
      %dma_wait3A_575 = arith.constant 0 : i32
      %dma_wait3A_576 = tpu.memref_slice %arg15[%dma_wait3A_574, %dma_wait3A_575] : memref<10240x16xf32, #tpu.memory_space<vmem_shared>> -> memref<10240x16xf32, #tpu.memory_space<vmem_shared>>
      tpu.wait_indirect_dma semaphore(%arg18 : memref<!tpu.dma_semaphore, #tpu.memory_space<semaphore_mem>>) src(%dma_wait3A_570 : memref<128x16xf32, #tpu.memory_space<vmem>>) dst(%dma_wait3A_576 : memref<10240x16xf32, #tpu.memory_space<vmem_shared>>)
      %dma_wait3A_577 = arith.constant 1 : i32
      %dma_wait3A_578 = arith.constant 0 : i32
      %dma_wait3A_579 = arith.constant 0 : i32
      %dma_wait3A_580 = tpu.memref_slice %arg11[%dma_wait3A_577, %dma_wait3A_578, %dma_wait3A_579] : memref<6x128x16xf32, #tpu.memory_space<vmem>> -> memref<1x128x16xf32, #tpu.memory_space<vmem>>
      %dma_wait3A_581 = tpu.memref_squeeze %dma_wait3A_580 : memref<1x128x16xf32, #tpu.memory_space<vmem>> -> memref<128x16xf32, #tpu.memory_space<vmem>>
      %dma_wait3A_582 = arith.constant 0 : i32
      %dma_wait3A_583 = tpu.memref_slice %arg9[%add3A_417, %dma_wait3A_582] : memref<79x128xi32, #tpu.memory_space<vmem>> -> memref<1x128xi32, #tpu.memory_space<vmem>>
      %dma_wait3A_584 = tpu.memref_squeeze %dma_wait3A_583 : memref<1x128xi32, #tpu.memory_space<vmem>> -> memref<128xi32, #tpu.memory_space<vmem>>
      %dma_wait3A_585 = arith.constant 0 : i32
      %dma_wait3A_586 = arith.constant 0 : i32
      %dma_wait3A_587 = tpu.memref_slice %arg14[%dma_wait3A_585, %dma_wait3A_586] : memref<10240x16xf32, #tpu.memory_space<vmem_shared>> -> memref<10240x16xf32, #tpu.memory_space<vmem_shared>>
      tpu.wait_indirect_dma semaphore(%arg18 : memref<!tpu.dma_semaphore, #tpu.memory_space<semaphore_mem>>) src(%dma_wait3A_581 : memref<128x16xf32, #tpu.memory_space<vmem>>) dst(%dma_wait3A_587 : memref<10240x16xf32, #tpu.memory_space<vmem_shared>>)
      %dma_wait3A_588 = arith.constant 2 : i32
      %dma_wait3A_589 = arith.constant 0 : i32
      %dma_wait3A_590 = arith.constant 0 : i32
      %dma_wait3A_591 = tpu.memref_slice %arg10[%dma_wait3A_588, %dma_wait3A_589, %dma_wait3A_590] : memref<6x128x16xf32, #tpu.memory_space<vmem>> -> memref<1x128x16xf32, #tpu.memory_space<vmem>>
      %dma_wait3A_592 = tpu.memref_squeeze %dma_wait3A_591 : memref<1x128x16xf32, #tpu.memory_space<vmem>> -> memref<128x16xf32, #tpu.memory_space<vmem>>
      %dma_wait3A_593 = arith.constant 0 : i32
      %dma_wait3A_594 = tpu.memref_slice %arg9[%add3A_443, %dma_wait3A_593] : memref<79x128xi32, #tpu.memory_space<vmem>> -> memref<1x128xi32, #tpu.memory_space<vmem>>
      %dma_wait3A_595 = tpu.memref_squeeze %dma_wait3A_594 : memref<1x128xi32, #tpu.memory_space<vmem>> -> memref<128xi32, #tpu.memory_space<vmem>>
      %dma_wait3A_596 = arith.constant 0 : i32
      %dma_wait3A_597 = arith.constant 0 : i32
      %dma_wait3A_598 = tpu.memref_slice %arg15[%dma_wait3A_596, %dma_wait3A_597] : memref<10240x16xf32, #tpu.memory_space<vmem_shared>> -> memref<10240x16xf32, #tpu.memory_space<vmem_shared>>
      tpu.wait_indirect_dma semaphore(%arg18 : memref<!tpu.dma_semaphore, #tpu.memory_space<semaphore_mem>>) src(%dma_wait3A_592 : memref<128x16xf32, #tpu.memory_space<vmem>>) dst(%dma_wait3A_598 : memref<10240x16xf32, #tpu.memory_space<vmem_shared>>)
      %dma_wait3A_599 = arith.constant 2 : i32
      %dma_wait3A_600 = arith.constant 0 : i32
      %dma_wait3A_601 = arith.constant 0 : i32
      %dma_wait3A_602 = tpu.memref_slice %arg11[%dma_wait3A_599, %dma_wait3A_600, %dma_wait3A_601] : memref<6x128x16xf32, #tpu.memory_space<vmem>> -> memref<1x128x16xf32, #tpu.memory_space<vmem>>
      %dma_wait3A_603 = tpu.memref_squeeze %dma_wait3A_602 : memref<1x128x16xf32, #tpu.memory_space<vmem>> -> memref<128x16xf32, #tpu.memory_space<vmem>>
      %dma_wait3A_604 = arith.constant 0 : i32
      %dma_wait3A_605 = tpu.memref_slice %arg9[%add3A_443, %dma_wait3A_604] : memref<79x128xi32, #tpu.memory_space<vmem>> -> memref<1x128xi32, #tpu.memory_space<vmem>>
      %dma_wait3A_606 = tpu.memref_squeeze %dma_wait3A_605 : memref<1x128xi32, #tpu.memory_space<vmem>> -> memref<128xi32, #tpu.memory_space<vmem>>
      %dma_wait3A_607 = arith.constant 0 : i32
      %dma_wait3A_608 = arith.constant 0 : i32
      %dma_wait3A_609 = tpu.memref_slice %arg14[%dma_wait3A_607, %dma_wait3A_608] : memref<10240x16xf32, #tpu.memory_space<vmem_shared>> -> memref<10240x16xf32, #tpu.memory_space<vmem_shared>>
      tpu.wait_indirect_dma semaphore(%arg18 : memref<!tpu.dma_semaphore, #tpu.memory_space<semaphore_mem>>) src(%dma_wait3A_603 : memref<128x16xf32, #tpu.memory_space<vmem>>) dst(%dma_wait3A_609 : memref<10240x16xf32, #tpu.memory_space<vmem_shared>>)
      %dma_wait3A_610 = arith.constant 3 : i32
      %dma_wait3A_611 = arith.constant 0 : i32
      %dma_wait3A_612 = arith.constant 0 : i32
      %dma_wait3A_613 = tpu.memref_slice %arg10[%dma_wait3A_610, %dma_wait3A_611, %dma_wait3A_612] : memref<6x128x16xf32, #tpu.memory_space<vmem>> -> memref<1x128x16xf32, #tpu.memory_space<vmem>>
      %dma_wait3A_614 = tpu.memref_squeeze %dma_wait3A_613 : memref<1x128x16xf32, #tpu.memory_space<vmem>> -> memref<128x16xf32, #tpu.memory_space<vmem>>
      %dma_wait3A_615 = arith.constant 0 : i32
      %dma_wait3A_616 = tpu.memref_slice %arg9[%add3A_469, %dma_wait3A_615] : memref<79x128xi32, #tpu.memory_space<vmem>> -> memref<1x128xi32, #tpu.memory_space<vmem>>
      %dma_wait3A_617 = tpu.memref_squeeze %dma_wait3A_616 : memref<1x128xi32, #tpu.memory_space<vmem>> -> memref<128xi32, #tpu.memory_space<vmem>>
      %dma_wait3A_618 = arith.constant 0 : i32
      %dma_wait3A_619 = arith.constant 0 : i32
      %dma_wait3A_620 = tpu.memref_slice %arg15[%dma_wait3A_618, %dma_wait3A_619] : memref<10240x16xf32, #tpu.memory_space<vmem_shared>> -> memref<10240x16xf32, #tpu.memory_space<vmem_shared>>
      tpu.wait_indirect_dma semaphore(%arg18 : memref<!tpu.dma_semaphore, #tpu.memory_space<semaphore_mem>>) src(%dma_wait3A_614 : memref<128x16xf32, #tpu.memory_space<vmem>>) dst(%dma_wait3A_620 : memref<10240x16xf32, #tpu.memory_space<vmem_shared>>)
      %dma_wait3A_621 = arith.constant 3 : i32
      %dma_wait3A_622 = arith.constant 0 : i32
      %dma_wait3A_623 = arith.constant 0 : i32
      %dma_wait3A_624 = tpu.memref_slice %arg11[%dma_wait3A_621, %dma_wait3A_622, %dma_wait3A_623] : memref<6x128x16xf32, #tpu.memory_space<vmem>> -> memref<1x128x16xf32, #tpu.memory_space<vmem>>
      %dma_wait3A_625 = tpu.memref_squeeze %dma_wait3A_624 : memref<1x128x16xf32, #tpu.memory_space<vmem>> -> memref<128x16xf32, #tpu.memory_space<vmem>>
      %dma_wait3A_626 = arith.constant 0 : i32
      %dma_wait3A_627 = tpu.memref_slice %arg9[%add3A_469, %dma_wait3A_626] : memref<79x128xi32, #tpu.memory_space<vmem>> -> memref<1x128xi32, #tpu.memory_space<vmem>>
      %dma_wait3A_628 = tpu.memref_squeeze %dma_wait3A_627 : memref<1x128xi32, #tpu.memory_space<vmem>> -> memref<128xi32, #tpu.memory_space<vmem>>
      %dma_wait3A_629 = arith.constant 0 : i32
      %dma_wait3A_630 = arith.constant 0 : i32
      %dma_wait3A_631 = tpu.memref_slice %arg14[%dma_wait3A_629, %dma_wait3A_630] : memref<10240x16xf32, #tpu.memory_space<vmem_shared>> -> memref<10240x16xf32, #tpu.memory_space<vmem_shared>>
      tpu.wait_indirect_dma semaphore(%arg18 : memref<!tpu.dma_semaphore, #tpu.memory_space<semaphore_mem>>) src(%dma_wait3A_625 : memref<128x16xf32, #tpu.memory_space<vmem>>) dst(%dma_wait3A_631 : memref<10240x16xf32, #tpu.memory_space<vmem_shared>>)
      %dma_wait3A_632 = arith.constant 4 : i32
      %dma_wait3A_633 = arith.constant 0 : i32
      %dma_wait3A_634 = arith.constant 0 : i32
      %dma_wait3A_635 = tpu.memref_slice %arg10[%dma_wait3A_632, %dma_wait3A_633, %dma_wait3A_634] : memref<6x128x16xf32, #tpu.memory_space<vmem>> -> memref<1x128x16xf32, #tpu.memory_space<vmem>>
      %dma_wait3A_636 = tpu.memref_squeeze %dma_wait3A_635 : memref<1x128x16xf32, #tpu.memory_space<vmem>> -> memref<128x16xf32, #tpu.memory_space<vmem>>
      %dma_wait3A_637 = arith.constant 0 : i32
      %dma_wait3A_638 = tpu.memref_slice %arg9[%add3A_495, %dma_wait3A_637] : memref<79x128xi32, #tpu.memory_space<vmem>> -> memref<1x128xi32, #tpu.memory_space<vmem>>
      %dma_wait3A_639 = tpu.memref_squeeze %dma_wait3A_638 : memref<1x128xi32, #tpu.memory_space<vmem>> -> memref<128xi32, #tpu.memory_space<vmem>>
      %dma_wait3A_640 = arith.constant 0 : i32
      %dma_wait3A_641 = arith.constant 0 : i32
      %dma_wait3A_642 = tpu.memref_slice %arg15[%dma_wait3A_640, %dma_wait3A_641] : memref<10240x16xf32, #tpu.memory_space<vmem_shared>> -> memref<10240x16xf32, #tpu.memory_space<vmem_shared>>
      tpu.wait_indirect_dma semaphore(%arg18 : memref<!tpu.dma_semaphore, #tpu.memory_space<semaphore_mem>>) src(%dma_wait3A_636 : memref<128x16xf32, #tpu.memory_space<vmem>>) dst(%dma_wait3A_642 : memref<10240x16xf32, #tpu.memory_space<vmem_shared>>)
      %dma_wait3A_643 = arith.constant 4 : i32
      %dma_wait3A_644 = arith.constant 0 : i32
      %dma_wait3A_645 = arith.constant 0 : i32
      %dma_wait3A_646 = tpu.memref_slice %arg11[%dma_wait3A_643, %dma_wait3A_644, %dma_wait3A_645] : memref<6x128x16xf32, #tpu.memory_space<vmem>> -> memref<1x128x16xf32, #tpu.memory_space<vmem>>
      %dma_wait3A_647 = tpu.memref_squeeze %dma_wait3A_646 : memref<1x128x16xf32, #tpu.memory_space<vmem>> -> memref<128x16xf32, #tpu.memory_space<vmem>>
      %dma_wait3A_648 = arith.constant 0 : i32
      %dma_wait3A_649 = tpu.memref_slice %arg9[%add3A_495, %dma_wait3A_648] : memref<79x128xi32, #tpu.memory_space<vmem>> -> memref<1x128xi32, #tpu.memory_space<vmem>>
      %dma_wait3A_650 = tpu.memref_squeeze %dma_wait3A_649 : memref<1x128xi32, #tpu.memory_space<vmem>> -> memref<128xi32, #tpu.memory_space<vmem>>
      %dma_wait3A_651 = arith.constant 0 : i32
      %dma_wait3A_652 = arith.constant 0 : i32
      %dma_wait3A_653 = tpu.memref_slice %arg14[%dma_wait3A_651, %dma_wait3A_652] : memref<10240x16xf32, #tpu.memory_space<vmem_shared>> -> memref<10240x16xf32, #tpu.memory_space<vmem_shared>>
      tpu.wait_indirect_dma semaphore(%arg18 : memref<!tpu.dma_semaphore, #tpu.memory_space<semaphore_mem>>) src(%dma_wait3A_647 : memref<128x16xf32, #tpu.memory_space<vmem>>) dst(%dma_wait3A_653 : memref<10240x16xf32, #tpu.memory_space<vmem_shared>>)
      %dma_wait3A_654 = arith.constant 5 : i32
      %dma_wait3A_655 = arith.constant 0 : i32
      %dma_wait3A_656 = arith.constant 0 : i32
      %dma_wait3A_657 = tpu.memref_slice %arg10[%dma_wait3A_654, %dma_wait3A_655, %dma_wait3A_656] : memref<6x128x16xf32, #tpu.memory_space<vmem>> -> memref<1x128x16xf32, #tpu.memory_space<vmem>>
      %dma_wait3A_658 = tpu.memref_squeeze %dma_wait3A_657 : memref<1x128x16xf32, #tpu.memory_space<vmem>> -> memref<128x16xf32, #tpu.memory_space<vmem>>
      %dma_wait3A_659 = arith.constant 0 : i32
      %dma_wait3A_660 = tpu.memref_slice %arg9[%add3A_521, %dma_wait3A_659] : memref<79x128xi32, #tpu.memory_space<vmem>> -> memref<1x128xi32, #tpu.memory_space<vmem>>
      %dma_wait3A_661 = tpu.memref_squeeze %dma_wait3A_660 : memref<1x128xi32, #tpu.memory_space<vmem>> -> memref<128xi32, #tpu.memory_space<vmem>>
      %dma_wait3A_662 = arith.constant 0 : i32
      %dma_wait3A_663 = arith.constant 0 : i32
      %dma_wait3A_664 = tpu.memref_slice %arg15[%dma_wait3A_662, %dma_wait3A_663] : memref<10240x16xf32, #tpu.memory_space<vmem_shared>> -> memref<10240x16xf32, #tpu.memory_space<vmem_shared>>
      tpu.wait_indirect_dma semaphore(%arg18 : memref<!tpu.dma_semaphore, #tpu.memory_space<semaphore_mem>>) src(%dma_wait3A_658 : memref<128x16xf32, #tpu.memory_space<vmem>>) dst(%dma_wait3A_664 : memref<10240x16xf32, #tpu.memory_space<vmem_shared>>)
      %dma_wait3A_665 = arith.constant 5 : i32
      %dma_wait3A_666 = arith.constant 0 : i32
      %dma_wait3A_667 = arith.constant 0 : i32
      %dma_wait3A_668 = tpu.memref_slice %arg11[%dma_wait3A_665, %dma_wait3A_666, %dma_wait3A_667] : memref<6x128x16xf32, #tpu.memory_space<vmem>> -> memref<1x128x16xf32, #tpu.memory_space<vmem>>
      %dma_wait3A_669 = tpu.memref_squeeze %dma_wait3A_668 : memref<1x128x16xf32, #tpu.memory_space<vmem>> -> memref<128x16xf32, #tpu.memory_space<vmem>>
      %dma_wait3A_670 = arith.constant 0 : i32
      %dma_wait3A_671 = tpu.memref_slice %arg9[%add3A_521, %dma_wait3A_670] : memref<79x128xi32, #tpu.memory_space<vmem>> -> memref<1x128xi32, #tpu.memory_space<vmem>>
      %dma_wait3A_672 = tpu.memref_squeeze %dma_wait3A_671 : memref<1x128xi32, #tpu.memory_space<vmem>> -> memref<128xi32, #tpu.memory_space<vmem>>
      %dma_wait3A_673 = arith.constant 0 : i32
      %dma_wait3A_674 = arith.constant 0 : i32
      %dma_wait3A_675 = tpu.memref_slice %arg14[%dma_wait3A_673, %dma_wait3A_674] : memref<10240x16xf32, #tpu.memory_space<vmem_shared>> -> memref<10240x16xf32, #tpu.memory_space<vmem_shared>>
      tpu.wait_indirect_dma semaphore(%arg18 : memref<!tpu.dma_semaphore, #tpu.memory_space<semaphore_mem>>) src(%dma_wait3A_669 : memref<128x16xf32, #tpu.memory_space<vmem>>) dst(%dma_wait3A_675 : memref<10240x16xf32, #tpu.memory_space<vmem_shared>>)
    }
    %scan3A_32 = arith.constant 13 : i32
    %lt3A_33 = arith.constant 4 : i32
    %lt3A_34 = arith.cmpi slt, %add3A, %lt3A_33 : i32
    %convert_element_type3A_35 = arith.extui %lt3A_34 : i1 to i32
    %cond3A_36 = arith.constant 0 : i32
    %cond3A_37 = arith.cmpi ne, %convert_element_type3A_35, %cond3A_36 : i32
    scf.if %cond3A_37 {
      %add3A_47 = arith.constant 2496 : i32
      %add3A_48 = arith.addi %add3A_47, %add3A : i32
      %mul3A_49 = arith.constant 128 : i32
      %mul3A_50 = arith.muli %add3A_48, %mul3A_49 : i32
      %dma_start3A = arith.constant 0 : i32
      %dma_start3A_51 = arith.constant 0 : i32
      %dma_start3A_52 = arith.constant 0 : i32
      %dma_start3A_53 = tpu.memref_slice %arg10[%dma_start3A, %dma_start3A_51, %dma_start3A_52] : memref<6x128x16xf32, #tpu.memory_space<vmem>> -> memref<1x128x16xf32, #tpu.memory_space<vmem>>
      %dma_start3A_54 = tpu.memref_squeeze %dma_start3A_53 : memref<1x128x16xf32, #tpu.memory_space<vmem>> -> memref<128x16xf32, #tpu.memory_space<vmem>>
      %dma_start3A_55 = arith.constant 0 : i32
      %dma_start3A_56 = tpu.memref_slice %arg3[%mul3A_50, %dma_start3A_55] : memref<320000x16xf32, #tpu.memory_space<hbm>> -> memref<128x16xf32, #tpu.memory_space<hbm>>
      %dma_start3A_57 = arith.constant 0 : i32
      %dma_start3A_58 = arith.constant 0 : i32
      %dma_start3A_59 = tpu.memref_slice %arg10[%dma_start3A, %dma_start3A_57, %dma_start3A_58] : memref<6x128x16xf32, #tpu.memory_space<vmem>> -> memref<1x128x16xf32, #tpu.memory_space<vmem>>
      %dma_start3A_60 = tpu.memref_squeeze %dma_start3A_59 : memref<1x128x16xf32, #tpu.memory_space<vmem>> -> memref<128x16xf32, #tpu.memory_space<vmem>>
      %dma_start3A_61 = arith.constant 0 : i32
      %dma_start3A_62 = tpu.memref_slice %arg3[%mul3A_50, %dma_start3A_61] : memref<320000x16xf32, #tpu.memory_space<hbm>> -> memref<128x16xf32, #tpu.memory_space<hbm>>
      tpu.enqueue_dma source(%dma_start3A_62 : memref<128x16xf32, #tpu.memory_space<hbm>>) target(%dma_start3A_60 : memref<128x16xf32, #tpu.memory_space<vmem>>) target_semaphore(%arg16 : memref<!tpu.dma_semaphore, #tpu.memory_space<semaphore_mem>>)
      %dma_start3A_63 = arith.constant 78 : i32
      %dma_start3A_64 = arith.constant 0 : i32
      %dma_start3A_65 = arith.constant 0 : i32
      %dma_start3A_66 = arith.constant 0 : i32
      %dma_start3A_67 = tpu.memref_slice %arg11[%dma_start3A_64, %dma_start3A_65, %dma_start3A_66] : memref<6x128x16xf32, #tpu.memory_space<vmem>> -> memref<1x128x16xf32, #tpu.memory_space<vmem>>
      %dma_start3A_68 = tpu.memref_squeeze %dma_start3A_67 : memref<1x128x16xf32, #tpu.memory_space<vmem>> -> memref<128x16xf32, #tpu.memory_space<vmem>>
      %dma_start3A_69 = arith.constant 0 : i32
      %dma_start3A_70 = tpu.memref_slice %arg8[%dma_start3A_63, %dma_start3A_69] : memref<79x128xi32, #tpu.memory_space<vmem>> -> memref<1x128xi32, #tpu.memory_space<vmem>>
      %dma_start3A_71 = tpu.memref_squeeze %dma_start3A_70 : memref<1x128xi32, #tpu.memory_space<vmem>> -> memref<128xi32, #tpu.memory_space<vmem>>
      %dma_start3A_72 = arith.constant 0 : i32
      %dma_start3A_73 = arith.constant 0 : i32
      %dma_start3A_74 = tpu.memref_slice %arg13[%dma_start3A_72, %dma_start3A_73] : memref<10240x16xf32, #tpu.memory_space<vmem_shared>> -> memref<10240x16xf32, #tpu.memory_space<vmem_shared>>
      tpu.enqueue_indirect_dma source(%dma_start3A_74 : memref<10240x16xf32, #tpu.memory_space<vmem_shared>>) target(%dma_start3A_68 : memref<128x16xf32, #tpu.memory_space<vmem>>) offsets(%dma_start3A_71 : memref<128xi32, #tpu.memory_space<vmem>>) semaphore(%arg17 : memref<!tpu.dma_semaphore, #tpu.memory_space<semaphore_mem>>)
      %dma_wait3A = arith.constant 0 : i32
      %dma_wait3A_75 = arith.constant 0 : i32
      %dma_wait3A_76 = arith.constant 0 : i32
      %dma_wait3A_77 = tpu.memref_slice %arg10[%dma_wait3A, %dma_wait3A_75, %dma_wait3A_76] : memref<6x128x16xf32, #tpu.memory_space<vmem>> -> memref<1x128x16xf32, #tpu.memory_space<vmem>>
      %dma_wait3A_78 = tpu.memref_squeeze %dma_wait3A_77 : memref<1x128x16xf32, #tpu.memory_space<vmem>> -> memref<128x16xf32, #tpu.memory_space<vmem>>
      %dma_wait3A_79 = arith.constant 0 : i32
      %dma_wait3A_80 = tpu.memref_slice %arg3[%mul3A_50, %dma_wait3A_79] : memref<320000x16xf32, #tpu.memory_space<hbm>> -> memref<128x16xf32, #tpu.memory_space<hbm>>
      %dma_wait3A_81 = arith.constant 0 : i32
      %dma_wait3A_82 = arith.constant 0 : i32
      %dma_wait3A_83 = tpu.memref_slice %arg10[%dma_wait3A, %dma_wait3A_81, %dma_wait3A_82] : memref<6x128x16xf32, #tpu.memory_space<vmem>> -> memref<1x128x16xf32, #tpu.memory_space<vmem>>
      %dma_wait3A_84 = tpu.memref_squeeze %dma_wait3A_83 : memref<1x128x16xf32, #tpu.memory_space<vmem>> -> memref<128x16xf32, #tpu.memory_space<vmem>>
      %dma_wait3A_85 = arith.constant 0 : i32
      %dma_wait3A_86 = tpu.memref_slice %arg3[%mul3A_50, %dma_wait3A_85] : memref<320000x16xf32, #tpu.memory_space<hbm>> -> memref<128x16xf32, #tpu.memory_space<hbm>>
      tpu.wait_dma2 semaphore(%arg16 : memref<!tpu.dma_semaphore, #tpu.memory_space<semaphore_mem>>) src(%dma_wait3A_86 : memref<128x16xf32, #tpu.memory_space<hbm>>) dst(%dma_wait3A_84 : memref<128x16xf32, #tpu.memory_space<vmem>>)
      %dma_wait3A_87 = arith.constant 78 : i32
      %dma_wait3A_88 = arith.constant 0 : i32
      %dma_wait3A_89 = arith.constant 0 : i32
      %dma_wait3A_90 = arith.constant 0 : i32
      %dma_wait3A_91 = tpu.memref_slice %arg11[%dma_wait3A_88, %dma_wait3A_89, %dma_wait3A_90] : memref<6x128x16xf32, #tpu.memory_space<vmem>> -> memref<1x128x16xf32, #tpu.memory_space<vmem>>
      %dma_wait3A_92 = tpu.memref_squeeze %dma_wait3A_91 : memref<1x128x16xf32, #tpu.memory_space<vmem>> -> memref<128x16xf32, #tpu.memory_space<vmem>>
      %dma_wait3A_93 = arith.constant 0 : i32
      %dma_wait3A_94 = tpu.memref_slice %arg8[%dma_wait3A_87, %dma_wait3A_93] : memref<79x128xi32, #tpu.memory_space<vmem>> -> memref<1x128xi32, #tpu.memory_space<vmem>>
      %dma_wait3A_95 = tpu.memref_squeeze %dma_wait3A_94 : memref<1x128xi32, #tpu.memory_space<vmem>> -> memref<128xi32, #tpu.memory_space<vmem>>
      %dma_wait3A_96 = arith.constant 0 : i32
      %dma_wait3A_97 = arith.constant 0 : i32
      %dma_wait3A_98 = tpu.memref_slice %arg13[%dma_wait3A_96, %dma_wait3A_97] : memref<10240x16xf32, #tpu.memory_space<vmem_shared>> -> memref<10240x16xf32, #tpu.memory_space<vmem_shared>>
      tpu.wait_indirect_dma semaphore(%arg17 : memref<!tpu.dma_semaphore, #tpu.memory_space<semaphore_mem>>) src(%dma_wait3A_98 : memref<10240x16xf32, #tpu.memory_space<vmem_shared>>) dst(%dma_wait3A_92 : memref<128x16xf32, #tpu.memory_space<vmem>>)
      %dma_start3A_99 = arith.constant 0 : i32
      %dma_start3A_100 = arith.constant 78 : i32
      %dma_start3A_101 = arith.constant 0 : i32
      %dma_start3A_102 = arith.constant 0 : i32
      %dma_start3A_103 = tpu.memref_slice %arg10[%dma_start3A_99, %dma_start3A_101, %dma_start3A_102] : memref<6x128x16xf32, #tpu.memory_space<vmem>> -> memref<1x128x16xf32, #tpu.memory_space<vmem>>
      %dma_start3A_104 = tpu.memref_squeeze %dma_start3A_103 : memref<1x128x16xf32, #tpu.memory_space<vmem>> -> memref<128x16xf32, #tpu.memory_space<vmem>>
      %dma_start3A_105 = arith.constant 0 : i32
      %dma_start3A_106 = tpu.memref_slice %arg9[%dma_start3A_100, %dma_start3A_105] : memref<79x128xi32, #tpu.memory_space<vmem>> -> memref<1x128xi32, #tpu.memory_space<vmem>>
      %dma_start3A_107 = tpu.memref_squeeze %dma_start3A_106 : memref<1x128xi32, #tpu.memory_space<vmem>> -> memref<128xi32, #tpu.memory_space<vmem>>
      %dma_start3A_108 = arith.constant 0 : i32
      %dma_start3A_109 = arith.constant 0 : i32
      %dma_start3A_110 = tpu.memref_slice %arg15[%dma_start3A_108, %dma_start3A_109] : memref<10240x16xf32, #tpu.memory_space<vmem_shared>> -> memref<10240x16xf32, #tpu.memory_space<vmem_shared>>
      tpu.enqueue_indirect_dma source(%dma_start3A_104 : memref<128x16xf32, #tpu.memory_space<vmem>>) target(%dma_start3A_110 : memref<10240x16xf32, #tpu.memory_space<vmem_shared>>) offsets(%dma_start3A_107 : memref<128xi32, #tpu.memory_space<vmem>>) semaphore(%arg18 : memref<!tpu.dma_semaphore, #tpu.memory_space<semaphore_mem>>) {add = true}
      %dma_wait3A_111 = arith.constant 0 : i32
      %dma_wait3A_112 = arith.constant 78 : i32
      %dma_wait3A_113 = arith.constant 0 : i32
      %dma_wait3A_114 = arith.constant 0 : i32
      %dma_wait3A_115 = tpu.memref_slice %arg10[%dma_wait3A_111, %dma_wait3A_113, %dma_wait3A_114] : memref<6x128x16xf32, #tpu.memory_space<vmem>> -> memref<1x128x16xf32, #tpu.memory_space<vmem>>
      %dma_wait3A_116 = tpu.memref_squeeze %dma_wait3A_115 : memref<1x128x16xf32, #tpu.memory_space<vmem>> -> memref<128x16xf32, #tpu.memory_space<vmem>>
      %dma_wait3A_117 = arith.constant 0 : i32
      %dma_wait3A_118 = tpu.memref_slice %arg9[%dma_wait3A_112, %dma_wait3A_117] : memref<79x128xi32, #tpu.memory_space<vmem>> -> memref<1x128xi32, #tpu.memory_space<vmem>>
      %dma_wait3A_119 = tpu.memref_squeeze %dma_wait3A_118 : memref<1x128xi32, #tpu.memory_space<vmem>> -> memref<128xi32, #tpu.memory_space<vmem>>
      %dma_wait3A_120 = arith.constant 0 : i32
      %dma_wait3A_121 = arith.constant 0 : i32
      %dma_wait3A_122 = tpu.memref_slice %arg15[%dma_wait3A_120, %dma_wait3A_121] : memref<10240x16xf32, #tpu.memory_space<vmem_shared>> -> memref<10240x16xf32, #tpu.memory_space<vmem_shared>>
      tpu.wait_indirect_dma semaphore(%arg18 : memref<!tpu.dma_semaphore, #tpu.memory_space<semaphore_mem>>) src(%dma_wait3A_116 : memref<128x16xf32, #tpu.memory_space<vmem>>) dst(%dma_wait3A_122 : memref<10240x16xf32, #tpu.memory_space<vmem_shared>>)
      %dma_start3A_123 = arith.constant 0 : i32
      %dma_start3A_124 = arith.constant 78 : i32
      %dma_start3A_125 = arith.constant 0 : i32
      %dma_start3A_126 = arith.constant 0 : i32
      %dma_start3A_127 = tpu.memref_slice %arg11[%dma_start3A_123, %dma_start3A_125, %dma_start3A_126] : memref<6x128x16xf32, #tpu.memory_space<vmem>> -> memref<1x128x16xf32, #tpu.memory_space<vmem>>
      %dma_start3A_128 = tpu.memref_squeeze %dma_start3A_127 : memref<1x128x16xf32, #tpu.memory_space<vmem>> -> memref<128x16xf32, #tpu.memory_space<vmem>>
      %dma_start3A_129 = arith.constant 0 : i32
      %dma_start3A_130 = tpu.memref_slice %arg9[%dma_start3A_124, %dma_start3A_129] : memref<79x128xi32, #tpu.memory_space<vmem>> -> memref<1x128xi32, #tpu.memory_space<vmem>>
      %dma_start3A_131 = tpu.memref_squeeze %dma_start3A_130 : memref<1x128xi32, #tpu.memory_space<vmem>> -> memref<128xi32, #tpu.memory_space<vmem>>
      %dma_start3A_132 = arith.constant 0 : i32
      %dma_start3A_133 = arith.constant 0 : i32
      %dma_start3A_134 = tpu.memref_slice %arg14[%dma_start3A_132, %dma_start3A_133] : memref<10240x16xf32, #tpu.memory_space<vmem_shared>> -> memref<10240x16xf32, #tpu.memory_space<vmem_shared>>
      tpu.enqueue_indirect_dma source(%dma_start3A_128 : memref<128x16xf32, #tpu.memory_space<vmem>>) target(%dma_start3A_134 : memref<10240x16xf32, #tpu.memory_space<vmem_shared>>) offsets(%dma_start3A_131 : memref<128xi32, #tpu.memory_space<vmem>>) semaphore(%arg18 : memref<!tpu.dma_semaphore, #tpu.memory_space<semaphore_mem>>) {add = true}
      %dma_wait3A_135 = arith.constant 0 : i32
      %dma_wait3A_136 = arith.constant 78 : i32
      %dma_wait3A_137 = arith.constant 0 : i32
      %dma_wait3A_138 = arith.constant 0 : i32
      %dma_wait3A_139 = tpu.memref_slice %arg11[%dma_wait3A_135, %dma_wait3A_137, %dma_wait3A_138] : memref<6x128x16xf32, #tpu.memory_space<vmem>> -> memref<1x128x16xf32, #tpu.memory_space<vmem>>
      %dma_wait3A_140 = tpu.memref_squeeze %dma_wait3A_139 : memref<1x128x16xf32, #tpu.memory_space<vmem>> -> memref<128x16xf32, #tpu.memory_space<vmem>>
      %dma_wait3A_141 = arith.constant 0 : i32
      %dma_wait3A_142 = tpu.memref_slice %arg9[%dma_wait3A_136, %dma_wait3A_141] : memref<79x128xi32, #tpu.memory_space<vmem>> -> memref<1x128xi32, #tpu.memory_space<vmem>>
      %dma_wait3A_143 = tpu.memref_squeeze %dma_wait3A_142 : memref<1x128xi32, #tpu.memory_space<vmem>> -> memref<128xi32, #tpu.memory_space<vmem>>
      %dma_wait3A_144 = arith.constant 0 : i32
      %dma_wait3A_145 = arith.constant 0 : i32
      %dma_wait3A_146 = tpu.memref_slice %arg14[%dma_wait3A_144, %dma_wait3A_145] : memref<10240x16xf32, #tpu.memory_space<vmem_shared>> -> memref<10240x16xf32, #tpu.memory_space<vmem_shared>>
      tpu.wait_indirect_dma semaphore(%arg18 : memref<!tpu.dma_semaphore, #tpu.memory_space<semaphore_mem>>) src(%dma_wait3A_140 : memref<128x16xf32, #tpu.memory_space<vmem>>) dst(%dma_wait3A_146 : memref<10240x16xf32, #tpu.memory_space<vmem_shared>>)
    } else {
    }
    %barrier3A_38 = arith.constant 0 : index
    tpu.barrier barrier_id(%barrier3A_38)
    %mul3A_39 = arith.constant 640 : i32
    %mul3A_40 = arith.muli %arg1, %mul3A_39 : i32
    "tpu.region"() ({
      %run_scoped3A = tpu.sem_alloc : memref<!tpu.dma_semaphore, #tpu.memory_space<semaphore_mem>>
      %dma_start3A = arith.constant 0 : i32
      %dma_start3A_47 = tpu.memref_slice %arg14[%mul3A_40, %dma_start3A] : memref<10240x16xf32, #tpu.memory_space<vmem_shared>> -> memref<640x16xf32, #tpu.memory_space<vmem_shared>>
      %dma_start3A_48 = arith.constant 0 : i32
      %dma_start3A_49 = tpu.memref_slice %arg14[%mul3A_40, %dma_start3A_48] : memref<10240x16xf32, #tpu.memory_space<vmem_shared>> -> memref<640x16xf32, #tpu.memory_space<vmem_shared>>
      tpu.enqueue_dma source(%dma_start3A_49 : memref<640x16xf32, #tpu.memory_space<vmem_shared>>) target(%arg12 : memref<640x16xf32, #tpu.memory_space<vmem>>) target_semaphore(%run_scoped3A : memref<!tpu.dma_semaphore, #tpu.memory_space<semaphore_mem>>)
      %dma_wait3A = arith.constant 0 : i32
      %dma_wait3A_50 = tpu.memref_slice %arg14[%mul3A_40, %dma_wait3A] : memref<10240x16xf32, #tpu.memory_space<vmem_shared>> -> memref<640x16xf32, #tpu.memory_space<vmem_shared>>
      %dma_wait3A_51 = arith.constant 0 : i32
      %dma_wait3A_52 = tpu.memref_slice %arg14[%mul3A_40, %dma_wait3A_51] : memref<10240x16xf32, #tpu.memory_space<vmem_shared>> -> memref<640x16xf32, #tpu.memory_space<vmem_shared>>
      tpu.wait_dma2 semaphore(%run_scoped3A : memref<!tpu.dma_semaphore, #tpu.memory_space<semaphore_mem>>) src(%dma_wait3A_52 : memref<640x16xf32, #tpu.memory_space<vmem_shared>>) dst(%arg12 : memref<640x16xf32, #tpu.memory_space<vmem>>)
      tpu.yield
    }) : () -> ()
    %mul3A_41 = arith.constant 640 : i32
    %mul3A_42 = arith.muli %arg1, %mul3A_41 : i32
    "tpu.region"() ({
      %run_scoped3A = tpu.sem_alloc : memref<!tpu.dma_semaphore, #tpu.memory_space<semaphore_mem>>
      %dma_start3A = arith.constant 0 : i32
      %dma_start3A_47 = tpu.memref_slice %arg6[%arg0, %mul3A_42, %dma_start3A] : memref<2x10240x16xf32, #tpu.memory_space<hbm>> -> memref<1x640x16xf32, #tpu.memory_space<hbm>>
      %dma_start3A_48 = tpu.memref_squeeze %dma_start3A_47 : memref<1x640x16xf32, #tpu.memory_space<hbm>> -> memref<640x16xf32, #tpu.memory_space<hbm>>
      %dma_start3A_49 = arith.constant 0 : i32
      %dma_start3A_50 = tpu.memref_slice %arg6[%arg0, %mul3A_42, %dma_start3A_49] : memref<2x10240x16xf32, #tpu.memory_space<hbm>> -> memref<1x640x16xf32, #tpu.memory_space<hbm>>
      %dma_start3A_51 = tpu.memref_squeeze %dma_start3A_50 : memref<1x640x16xf32, #tpu.memory_space<hbm>> -> memref<640x16xf32, #tpu.memory_space<hbm>>
      tpu.enqueue_dma source(%arg12 : memref<640x16xf32, #tpu.memory_space<vmem>>) target(%dma_start3A_51 : memref<640x16xf32, #tpu.memory_space<hbm>>) target_semaphore(%run_scoped3A : memref<!tpu.dma_semaphore, #tpu.memory_space<semaphore_mem>>)
      %dma_wait3A = arith.constant 0 : i32
      %dma_wait3A_52 = tpu.memref_slice %arg6[%arg0, %mul3A_42, %dma_wait3A] : memref<2x10240x16xf32, #tpu.memory_space<hbm>> -> memref<1x640x16xf32, #tpu.memory_space<hbm>>
      %dma_wait3A_53 = tpu.memref_squeeze %dma_wait3A_52 : memref<1x640x16xf32, #tpu.memory_space<hbm>> -> memref<640x16xf32, #tpu.memory_space<hbm>>
      %dma_wait3A_54 = arith.constant 0 : i32
      %dma_wait3A_55 = tpu.memref_slice %arg6[%arg0, %mul3A_42, %dma_wait3A_54] : memref<2x10240x16xf32, #tpu.memory_space<hbm>> -> memref<1x640x16xf32, #tpu.memory_space<hbm>>
      %dma_wait3A_56 = tpu.memref_squeeze %dma_wait3A_55 : memref<1x640x16xf32, #tpu.memory_space<hbm>> -> memref<640x16xf32, #tpu.memory_space<hbm>>
      tpu.wait_dma2 semaphore(%run_scoped3A : memref<!tpu.dma_semaphore, #tpu.memory_space<semaphore_mem>>) src(%arg12 : memref<640x16xf32, #tpu.memory_space<vmem>>) dst(%dma_wait3A_56 : memref<640x16xf32, #tpu.memory_space<hbm>>)
      tpu.yield
    }) : () -> ()
    %mul3A_43 = arith.constant 640 : i32
    %mul3A_44 = arith.muli %arg1, %mul3A_43 : i32
    "tpu.region"() ({
      %run_scoped3A = tpu.sem_alloc : memref<!tpu.dma_semaphore, #tpu.memory_space<semaphore_mem>>
      %dma_start3A = arith.constant 0 : i32
      %dma_start3A_47 = tpu.memref_slice %arg15[%mul3A_44, %dma_start3A] : memref<10240x16xf32, #tpu.memory_space<vmem_shared>> -> memref<640x16xf32, #tpu.memory_space<vmem_shared>>
      %dma_start3A_48 = arith.constant 0 : i32
      %dma_start3A_49 = tpu.memref_slice %arg15[%mul3A_44, %dma_start3A_48] : memref<10240x16xf32, #tpu.memory_space<vmem_shared>> -> memref<640x16xf32, #tpu.memory_space<vmem_shared>>
      tpu.enqueue_dma source(%dma_start3A_49 : memref<640x16xf32, #tpu.memory_space<vmem_shared>>) target(%arg12 : memref<640x16xf32, #tpu.memory_space<vmem>>) target_semaphore(%run_scoped3A : memref<!tpu.dma_semaphore, #tpu.memory_space<semaphore_mem>>)
      %dma_wait3A = arith.constant 0 : i32
      %dma_wait3A_50 = tpu.memref_slice %arg15[%mul3A_44, %dma_wait3A] : memref<10240x16xf32, #tpu.memory_space<vmem_shared>> -> memref<640x16xf32, #tpu.memory_space<vmem_shared>>
      %dma_wait3A_51 = arith.constant 0 : i32
      %dma_wait3A_52 = tpu.memref_slice %arg15[%mul3A_44, %dma_wait3A_51] : memref<10240x16xf32, #tpu.memory_space<vmem_shared>> -> memref<640x16xf32, #tpu.memory_space<vmem_shared>>
      tpu.wait_dma2 semaphore(%run_scoped3A : memref<!tpu.dma_semaphore, #tpu.memory_space<semaphore_mem>>) src(%dma_wait3A_52 : memref<640x16xf32, #tpu.memory_space<vmem_shared>>) dst(%arg12 : memref<640x16xf32, #tpu.memory_space<vmem>>)
      tpu.yield
    }) : () -> ()
    %mul3A_45 = arith.constant 640 : i32
    %mul3A_46 = arith.muli %arg1, %mul3A_45 : i32
    "tpu.region"() ({
      %run_scoped3A = tpu.sem_alloc : memref<!tpu.dma_semaphore, #tpu.memory_space<semaphore_mem>>
      %dma_start3A = arith.constant 0 : i32
      %dma_start3A_47 = tpu.memref_slice %arg7[%arg0, %mul3A_46, %dma_start3A] : memref<2x10240x16xf32, #tpu.memory_space<hbm>> -> memref<1x640x16xf32, #tpu.memory_space<hbm>>
      %dma_start3A_48 = tpu.memref_squeeze %dma_start3A_47 : memref<1x640x16xf32, #tpu.memory_space<hbm>> -> memref<640x16xf32, #tpu.memory_space<hbm>>
      %dma_start3A_49 = arith.constant 0 : i32
      %dma_start3A_50 = tpu.memref_slice %arg7[%arg0, %mul3A_46, %dma_start3A_49] : memref<2x10240x16xf32, #tpu.memory_space<hbm>> -> memref<1x640x16xf32, #tpu.memory_space<hbm>>
      %dma_start3A_51 = tpu.memref_squeeze %dma_start3A_50 : memref<1x640x16xf32, #tpu.memory_space<hbm>> -> memref<640x16xf32, #tpu.memory_space<hbm>>
      tpu.enqueue_dma source(%arg12 : memref<640x16xf32, #tpu.memory_space<vmem>>) target(%dma_start3A_51 : memref<640x16xf32, #tpu.memory_space<hbm>>) target_semaphore(%run_scoped3A : memref<!tpu.dma_semaphore, #tpu.memory_space<semaphore_mem>>)
      %dma_wait3A = arith.constant 0 : i32
      %dma_wait3A_52 = tpu.memref_slice %arg7[%arg0, %mul3A_46, %dma_wait3A] : memref<2x10240x16xf32, #tpu.memory_space<hbm>> -> memref<1x640x16xf32, #tpu.memory_space<hbm>>
      %dma_wait3A_53 = tpu.memref_squeeze %dma_wait3A_52 : memref<1x640x16xf32, #tpu.memory_space<hbm>> -> memref<640x16xf32, #tpu.memory_space<hbm>>
      %dma_wait3A_54 = arith.constant 0 : i32
      %dma_wait3A_55 = tpu.memref_slice %arg7[%arg0, %mul3A_46, %dma_wait3A_54] : memref<2x10240x16xf32, #tpu.memory_space<hbm>> -> memref<1x640x16xf32, #tpu.memory_space<hbm>>
      %dma_wait3A_56 = tpu.memref_squeeze %dma_wait3A_55 : memref<1x640x16xf32, #tpu.memory_space<hbm>> -> memref<640x16xf32, #tpu.memory_space<hbm>>
      tpu.wait_dma2 semaphore(%run_scoped3A : memref<!tpu.dma_semaphore, #tpu.memory_space<semaphore_mem>>) src(%arg12 : memref<640x16xf32, #tpu.memory_space<vmem>>) dst(%dma_wait3A_56 : memref<640x16xf32, #tpu.memory_space<hbm>>)
      tpu.yield
    }) : () -> ()
    return
  }
}

module attributes {stable_mosaic.version = 14 : i64} {
  func.func @_proj_edges_t_body(%arg0: i32, %arg1: memref<16x16xf32, #tpu.memory_space<vmem>>, %arg2: memref<16x32000xf32, #tpu.memory_space<vmem>>, %arg3: memref<16x32000xf32, #tpu.memory_space<vmem>>) attributes {dimension_semantics = [#tpu.dimension_semantics<arbitrary>], iteration_bounds = array<i64: 10>, scalar_prefetch = 0 : i64, scratch_operands = 0 : i64, tpu.core_type = #tpu.core_type<tc>, window_params = [{pipeline_mode = #tpu.pipeline_mode<synchronous>, transform_indices = @transform_0, window_bounds = array<i64: 16, 16>}, {transform_indices = @transform_1, window_bounds = array<i64: 16, 32000>}, {transform_indices = @transform_2, window_bounds = array<i64: 16, 32000>}]} {
    %get3A = arith.constant 0 : index
    %get3A_0 = arith.constant 0 : index
    %get3A_1 = vector.load %arg1[%get3A, %get3A_0] : memref<16x16xf32, #tpu.memory_space<vmem>>, vector<16x16xf32>
    %get3A_2 = arith.constant 0 : index
    %get3A_3 = arith.constant 0 : index
    %get3A_4 = vector.load %arg2[%get3A_2, %get3A_3] : memref<16x32000xf32, #tpu.memory_space<vmem>>, vector<16x32000xf32>
    %dot_general3A = arith.constant dense<0.000000e+00> : vector<16x32000xf32>
    %dot_general3A_5 = tpu.matmul %get3A_1, %get3A_4, %dot_general3A {dimension_numbers = #tpu.dot_dimension_numbers<[1], [0], [0], [1], [0, 0, 1, 1], [], []>, transpose_lhs_hint = false} : vector<16x16xf32>, vector<16x32000xf32>, vector<16x32000xf32> -> vector<16x32000xf32>
    %swap3A = arith.constant 0 : index
    %swap3A_6 = arith.constant 0 : index
    %swap3A_7 = vector.load %arg3[%swap3A, %swap3A_6] : memref<16x32000xf32, #tpu.memory_space<vmem>>, vector<16x32000xf32>
    tpu.vector_store %arg3[%swap3A, %swap3A_6], %dot_general3A_5 {strides = array<i32>} : memref<16x32000xf32, #tpu.memory_space<vmem>>, vector<16x32000xf32>,
    return
  }
  func.func @transform_0(%arg0: i32) -> (i32, i32) {
    %c0_i32 = arith.constant 0 : i32
    %c0_i32_0 = arith.constant 0 : i32
    %c0_i32_1 = arith.constant 0 : i32
    return %c0_i32, %c0_i32_0 : i32, i32
  }
  func.func @transform_1(%arg0: i32) -> (i32, i32) {
    %c0_i32 = arith.constant 0 : i32
    %c0_i32_0 = arith.constant 0 : i32
    return %c0_i32, %arg0 : i32, i32
  }
  func.func @transform_2(%arg0: i32) -> (i32, i32) {
    %c0_i32 = arith.constant 0 : i32
    %c0_i32_0 = arith.constant 0 : i32
    return %c0_i32, %arg0 : i32, i32
  }
}

module attributes {stable_mosaic.version = 14 : i64} {
  func.func @_proj_nodes_body(%arg0: i32, %arg1: memref<1000x128xf32, #tpu.memory_space<vmem>>, %arg2: memref<128x16xf32, #tpu.memory_space<vmem>>, %arg3: memref<1x16xf32, #tpu.memory_space<vmem>>, %arg4: memref<1000x16xf32, #tpu.memory_space<vmem>>) attributes {dimension_semantics = [#tpu.dimension_semantics<arbitrary>], iteration_bounds = array<i64: 10>, scalar_prefetch = 0 : i64, scratch_operands = 0 : i64, tpu.core_type = #tpu.core_type<tc>, window_params = [{transform_indices = @transform_0, window_bounds = array<i64: 1000, 128>}, {pipeline_mode = #tpu.pipeline_mode<synchronous>, transform_indices = @transform_1, window_bounds = array<i64: 128, 16>}, {pipeline_mode = #tpu.pipeline_mode<synchronous>, transform_indices = @transform_2, window_bounds = array<i64: 1, 16>}, {transform_indices = @transform_3, window_bounds = array<i64: 1000, 16>}]} {
    %get3A = arith.constant 0 : index
    %get3A_0 = arith.constant 0 : index
    %get3A_1 = vector.load %arg1[%get3A, %get3A_0] : memref<1000x128xf32, #tpu.memory_space<vmem>>, vector<1000x128xf32>
    %get3A_2 = arith.constant 0 : index
    %get3A_3 = arith.constant 0 : index
    %get3A_4 = vector.load %arg2[%get3A_2, %get3A_3] : memref<128x16xf32, #tpu.memory_space<vmem>>, vector<128x16xf32>
    %dot_general3A = arith.constant dense<0.000000e+00> : vector<1000x16xf32>
    %dot_general3A_5 = tpu.matmul %get3A_1, %get3A_4, %dot_general3A {dimension_numbers = #tpu.dot_dimension_numbers<[1], [0], [0], [1], [0, 0, 1, 1], [], []>, transpose_lhs_hint = false} : vector<1000x128xf32>, vector<128x16xf32>, vector<1000x16xf32> -> vector<1000x16xf32>
    %get3A_6 = arith.constant 0 : index
    %get3A_7 = arith.constant 0 : index
    %get3A_8 = vector.load %arg3[%get3A_6, %get3A_7] : memref<1x16xf32, #tpu.memory_space<vmem>>, vector<1x16xf32>
    %add3A = vector.broadcast %get3A_8 : vector<1x16xf32> to vector<1000x16xf32>
    %add3A_9 = arith.addf %dot_general3A_5, %add3A : vector<1000x16xf32>
    %swap3A = arith.constant 0 : index
    %swap3A_10 = arith.constant 0 : index
    %swap3A_11 = vector.load %arg4[%swap3A, %swap3A_10] : memref<1000x16xf32, #tpu.memory_space<vmem>>, vector<1000x16xf32>
    tpu.vector_store %arg4[%swap3A, %swap3A_10], %add3A_9 {strides = array<i32>} : memref<1000x16xf32, #tpu.memory_space<vmem>>, vector<1000x16xf32>,
    return
  }
  func.func @transform_0(%arg0: i32) -> (i32, i32) {
    %c0_i32 = arith.constant 0 : i32
    %c0_i32_0 = arith.constant 0 : i32
    return %arg0, %c0_i32 : i32, i32
  }
  func.func @transform_1(%arg0: i32) -> (i32, i32) {
    %c0_i32 = arith.constant 0 : i32
    %c0_i32_0 = arith.constant 0 : i32
    %c0_i32_1 = arith.constant 0 : i32
    return %c0_i32, %c0_i32_0 : i32, i32
  }
  func.func @transform_2(%arg0: i32) -> (i32, i32) {
    %c0_i32 = arith.constant 0 : i32
    %c0_i32_0 = arith.constant 0 : i32
    %c0_i32_1 = arith.constant 0 : i32
    return %c0_i32, %c0_i32_0 : i32, i32
  }
  func.func @transform_3(%arg0: i32) -> (i32, i32) {
    %c0_i32 = arith.constant 0 : i32
    %c0_i32_0 = arith.constant 0 : i32
    return %arg0, %c0_i32 : i32, i32
  }
}

module attributes {stable_mosaic.version = 14 : i64} {
  func.func @_head_body(%arg0: memref<2x10240x16xf32, #tpu.memory_space<vmem>>, %arg1: memref<2x10240x16xf32, #tpu.memory_space<vmem>>, %arg2: memref<1x10240xi32, #tpu.memory_space<vmem>>, %arg3: memref<16x16xf32, #tpu.memory_space<vmem>>, %arg4: memref<1x16xf32, #tpu.memory_space<vmem>>, %arg5: memref<16x16xf32, #tpu.memory_space<vmem>>, %arg6: memref<1x16xf32, #tpu.memory_space<vmem>>, %arg7: memref<16x16xf32, #tpu.memory_space<vmem>>, %arg8: memref<1x16xf32, #tpu.memory_space<vmem>>, %arg9: memref<16x16xf32, #tpu.memory_space<vmem>>, %arg10: memref<1x16xf32, #tpu.memory_space<vmem>>, %arg11: memref<64x16xf32, #tpu.memory_space<vmem>>) attributes {dimension_semantics = [], scalar_prefetch = 0 : i64, scratch_operands = 0 : i64, tpu.core_type = #tpu.core_type<tc>} {
    %get3A = arith.constant 0 : index
    %get3A_0 = arith.constant 0 : index
    %get3A_1 = arith.constant 0 : index
    %get3A_2 = vector.load %arg0[%get3A, %get3A_0, %get3A_1] : memref<2x10240x16xf32, #tpu.memory_space<vmem>>, vector<1x10240x16xf32>
    %get3A_3 = vector.shape_cast %get3A_2 : vector<1x10240x16xf32> to vector<10240x16xf32>
    %get3A_4 = arith.constant 1 : index
    %get3A_5 = arith.constant 0 : index
    %get3A_6 = arith.constant 0 : index
    %get3A_7 = vector.load %arg0[%get3A_4, %get3A_5, %get3A_6] : memref<2x10240x16xf32, #tpu.memory_space<vmem>>, vector<1x10240x16xf32>
    %get3A_8 = vector.shape_cast %get3A_7 : vector<1x10240x16xf32> to vector<10240x16xf32>
    %add3A = arith.addf %get3A_3, %get3A_8 : vector<10240x16xf32>
    %get3A_9 = arith.constant 0 : index
    %get3A_10 = arith.constant 0 : index
    %get3A_11 = arith.constant 0 : index
    %get3A_12 = vector.load %arg1[%get3A_9, %get3A_10, %get3A_11] : memref<2x10240x16xf32, #tpu.memory_space<vmem>>, vector<1x10240x16xf32>
    %get3A_13 = vector.shape_cast %get3A_12 : vector<1x10240x16xf32> to vector<10240x16xf32>
    %add3A_14 = arith.addf %add3A, %get3A_13 : vector<10240x16xf32>
    %get3A_15 = arith.constant 1 : index
    %get3A_16 = arith.constant 0 : index
    %get3A_17 = arith.constant 0 : index
    %get3A_18 = vector.load %arg1[%get3A_15, %get3A_16, %get3A_17] : memref<2x10240x16xf32, #tpu.memory_space<vmem>>, vector<1x10240x16xf32>
    %get3A_19 = vector.shape_cast %get3A_18 : vector<1x10240x16xf32> to vector<10240x16xf32>
    %add3A_20 = arith.addf %add3A_14, %get3A_19 : vector<10240x16xf32>
    %max3A = arith.constant 0.000000e+00 : f32
    %max3A_21 = vector.broadcast %max3A : f32 to vector<10240x16xf32>
    %max3A_22 = arith.maximumf %add3A_20, %max3A_21 : vector<10240x16xf32>
    %get3A_23 = arith.constant 0 : index
    %get3A_24 = arith.constant 0 : index
    %get3A_25 = vector.load %arg3[%get3A_23, %get3A_24] : memref<16x16xf32, #tpu.memory_space<vmem>>, vector<16x16xf32>
    %dot_general3A = arith.constant dense<0.000000e+00> : vector<10240x16xf32>
    %dot_general3A_26 = tpu.matmul %max3A_22, %get3A_25, %dot_general3A {dimension_numbers = #tpu.dot_dimension_numbers<[1], [0], [0], [1], [0, 0, 1, 1], [], []>, transpose_lhs_hint = false} : vector<10240x16xf32>, vector<16x16xf32>, vector<10240x16xf32> -> vector<10240x16xf32>
    %get3A_27 = arith.constant 0 : index
    %get3A_28 = arith.constant 0 : index
    %get3A_29 = vector.load %arg4[%get3A_27, %get3A_28] : memref<1x16xf32, #tpu.memory_space<vmem>>, vector<1x16xf32>
    %add3A_30 = vector.broadcast %get3A_29 : vector<1x16xf32> to vector<10240x16xf32>
    %add3A_31 = arith.addf %dot_general3A_26, %add3A_30 : vector<10240x16xf32>
    %max3A_32 = arith.constant 0.000000e+00 : f32
    %max3A_33 = vector.broadcast %max3A_32 : f32 to vector<10240x16xf32>
    %max3A_34 = arith.maximumf %add3A_31, %max3A_33 : vector<10240x16xf32>
    %get3A_35 = arith.constant 0 : index
    %get3A_36 = arith.constant 0 : index
    %get3A_37 = vector.load %arg5[%get3A_35, %get3A_36] : memref<16x16xf32, #tpu.memory_space<vmem>>, vector<16x16xf32>
    %dot_general3A_38 = arith.constant dense<0.000000e+00> : vector<10240x16xf32>
    %dot_general3A_39 = tpu.matmul %max3A_34, %get3A_37, %dot_general3A_38 {dimension_numbers = #tpu.dot_dimension_numbers<[1], [0], [0], [1], [0, 0, 1, 1], [], []>, transpose_lhs_hint = false} : vector<10240x16xf32>, vector<16x16xf32>, vector<10240x16xf32> -> vector<10240x16xf32>
    %get3A_40 = arith.constant 0 : index
    %get3A_41 = arith.constant 0 : index
    %get3A_42 = vector.load %arg6[%get3A_40, %get3A_41] : memref<1x16xf32, #tpu.memory_space<vmem>>, vector<1x16xf32>
    %add3A_43 = vector.broadcast %get3A_42 : vector<1x16xf32> to vector<10240x16xf32>
    %add3A_44 = arith.addf %dot_general3A_39, %add3A_43 : vector<10240x16xf32>
    %max3A_45 = arith.constant 0.000000e+00 : f32
    %max3A_46 = vector.broadcast %max3A_45 : f32 to vector<10240x16xf32>
    %max3A_47 = arith.maximumf %add3A_44, %max3A_46 : vector<10240x16xf32>
    %iota3A = tpu.iota {dimensions = array<i32: 0>} : vector<64x10240xi32>
    %get3A_48 = arith.constant 0 : index
    %get3A_49 = arith.constant 0 : index
    %get3A_50 = vector.load %arg2[%get3A_48, %get3A_49] : memref<1x10240xi32, #tpu.memory_space<vmem>>, vector<1x10240xi32>
    %eq3A = vector.broadcast %get3A_50 : vector<1x10240xi32> to vector<64x10240xi32>
    %eq3A_51 = arith.cmpi eq, %iota3A, %eq3A : vector<64x10240xi32>
    %convert_element_type3A = arith.extui %eq3A_51 : vector<64x10240xi1> to vector<64x10240xi32>
    %convert_element_type3A_52 = arith.sitofp %convert_element_type3A : vector<64x10240xi32> to vector<64x10240xf32>
    %dot_general3A_53 = arith.constant dense<0.000000e+00> : vector<64x16xf32>
    %dot_general3A_54 = tpu.matmul %convert_element_type3A_52, %max3A_47, %dot_general3A_53 {dimension_numbers = #tpu.dot_dimension_numbers<[1], [0], [0], [1], [0, 0, 1, 1], [], []>, precision = #tpu.contract_precision<fp32>, transpose_lhs_hint = false} : vector<64x10240xf32>, vector<10240x16xf32>, vector<64x16xf32> -> vector<64x16xf32>
    %get3A_55 = arith.constant 0 : index
    %get3A_56 = arith.constant 0 : index
    %get3A_57 = vector.load %arg7[%get3A_55, %get3A_56] : memref<16x16xf32, #tpu.memory_space<vmem>>, vector<16x16xf32>
    %dot_general3A_58 = arith.constant dense<0.000000e+00> : vector<64x16xf32>
    %dot_general3A_59 = tpu.matmul %dot_general3A_54, %get3A_57, %dot_general3A_58 {dimension_numbers = #tpu.dot_dimension_numbers<[1], [0], [0], [1], [0, 0, 1, 1], [], []>, transpose_lhs_hint = false} : vector<64x16xf32>, vector<16x16xf32>, vector<64x16xf32> -> vector<64x16xf32>
    %get3A_60 = arith.constant 0 : index
    %get3A_61 = arith.constant 0 : index
    %get3A_62 = vector.load %arg8[%get3A_60, %get3A_61] : memref<1x16xf32, #tpu.memory_space<vmem>>, vector<1x16xf32>
    %add3A_63 = vector.broadcast %get3A_62 : vector<1x16xf32> to vector<64x16xf32>
    %add3A_64 = arith.addf %dot_general3A_59, %add3A_63 : vector<64x16xf32>
    %max3A_65 = arith.constant 0.000000e+00 : f32
    %max3A_66 = vector.broadcast %max3A_65 : f32 to vector<64x16xf32>
    %max3A_67 = arith.maximumf %add3A_64, %max3A_66 : vector<64x16xf32>
    %get3A_68 = arith.constant 0 : index
    %get3A_69 = arith.constant 0 : index
    %get3A_70 = vector.load %arg9[%get3A_68, %get3A_69] : memref<16x16xf32, #tpu.memory_space<vmem>>, vector<16x16xf32>
    %dot_general3A_71 = arith.constant dense<0.000000e+00> : vector<64x16xf32>
    %dot_general3A_72 = tpu.matmul %max3A_67, %get3A_70, %dot_general3A_71 {dimension_numbers = #tpu.dot_dimension_numbers<[1], [0], [0], [1], [0, 0, 1, 1], [], []>, transpose_lhs_hint = false} : vector<64x16xf32>, vector<16x16xf32>, vector<64x16xf32> -> vector<64x16xf32>
    %get3A_73 = arith.constant 0 : index
    %get3A_74 = arith.constant 0 : index
    %get3A_75 = vector.load %arg10[%get3A_73, %get3A_74] : memref<1x16xf32, #tpu.memory_space<vmem>>, vector<1x16xf32>
    %add3A_76 = vector.broadcast %get3A_75 : vector<1x16xf32> to vector<64x16xf32>
    %add3A_77 = arith.addf %dot_general3A_72, %add3A_76 : vector<64x16xf32>
    %swap3A = arith.constant 0 : index
    %swap3A_78 = arith.constant 0 : index
    %swap3A_79 = vector.load %arg11[%swap3A, %swap3A_78] : memref<64x16xf32, #tpu.memory_space<vmem>>, vector<64x16xf32>
    tpu.vector_store %arg11[%swap3A, %swap3A_78], %add3A_77 {strides = array<i32>} : memref<64x16xf32, #tpu.memory_space<vmem>>, vector<64x16xf32>,
    return
  }
}

</mosaic_0001>

<sc_bundles>
// kernel: kernel.6.cloned.1.call-start
scs
__scs_entry_jumppad:
0x0: {  	(pc) =	sbr.rel $0x88, $3  }
0x1: {  	(tag) =	ssettag $0x0;
	lr =	simm.s32 $0x1  }
0x2: {  	[smem:$0x3F92] =	sst lr;
	_ =	strace $0xD0000000  }
0x3: {  	_ = 	snop  }
0x4: {  	_ = 	snop  }
0x5: {  	_ = 	snop  }
0x6: {  	_ = 	snop  }
0x7: {  	_ = 	snop  }
__scs_overlays_trampoline_lowered:
0x8: {  	[smem:$0x3FA1] =	sst s0  }
0x9: {  	[smem:$0x3FA2] =	sst s1  }
0xa: {  	[smem:$0x3FA3] =	sst s2  }
0xb: {  	[smem:$0x3FA4] =	sst s3  }
0xc: {  	[smem:$0x3FA5] =	sst s4  }
0xd: {  	[smem:$0x3FA6] =	sst s5  }
0xe: {  	[smem:$0x3FA7] =	sst s6  }
0xf: {  	[smem:$0x3FA8] =	sst s7  }
0x10: {  	[smem:$0x3FA9] =	sst s8  }
0x11: {  	[smem:$0x3FAA] =	sst s9;
	s0 =	simm.s32 @!p0 $0x0  }
0x12: {  	s1 =	sld [smem:$0x3F90];
	s0 =	simm.s32 @p0 $0x1  }
0x13: {  	[smem:$0x3FAB] =	sst s0;
	s0 =	simm.s32 @!p1 $0x0  }
0x14: {  	s2 =	sld [smem:$0x3F8F];
	s0 =	simm.s32 @p1 $0x1  }
0x15: {  	[smem:$0x3FAC] =	sst s0;
	s0 =	simm.s32 @!p2 $0x0  }
0x16: {  	s3 =	sld [smem:$0x3FDB];
	s0 =	simm.s32 @p2 $0x1  }
0x17: {  	s4 =	simm.s32 $0x1BF5;
	[smem:$0x3FAE] =	sst s0  }
0x18: {  	s0 =	sld [smem:$0x3F91];
	_ =	swait.ge [sflag:s4], $0x0  }
0x19: {  	s7 =	sld [smem:$0x3F92]  }
0x1a: {  	s8 =	sadd.s32 $0xFFFFE003, lr  }
0x1b: {  	s9 =	sadd.s32 $0xFFFFFEF7, lr;
	s5 =	simm.s32 $0xFFFFFFFF;
	p2 =	slt.u32 s8, $0xFFFFF086  }
0x1c: {  	p1 =	slt.u32 s9, $0xF7A;
	s5 =	simm.s32 @!p2 $0x0  }
0x1d: {  	s5 =	simm.s32 @p1 $0x1;
	p0 =	seq.s32 s7, s2  }
0x1e: {  	s7 =	smul.u32 @!p0 $0xF7A, s2;
	p2 =	seq.s32 @!p0 s5, $0x0  }
0x1f: {  	s9 =	smul.u32 $0xF7A, s1;
	s8 =	simm.s32 @!p0 $0x1BF5;
	p2 =	por !p2, p0  }
0x20: {  	[sflag:s8] =	ssyncset.s32 @!p0 $0xFFFFF086;
	s6 =	sadd.s32 @!p0 s3, s7;
	s7 =	simm.s32 @!p0 $0x108  }
0x21: {  	s3 =	sadd.s32 s3, s9;
	s6 =	sadd.s32 @!p0 $0x88, s6;
	s7 =	simm.s32 @p2 $0x1082  }
0x22: {  	[simem:s7], [sflag:s8] =	dma.local @!p0 [hbm:s6], $0xF7A  }
0x23: {  	s9 =	sor.u32 $0xD0000000, s2;
	s6 =	simm.s32 $0x108;
	_ =	swait.ge @!p0 [sflag:s8], $0x0  }
0x24: {  	s3 =	sadd.s32 $0x88, s3;
	s6 =	simm.s32 @!p1 $0x1082;
	[sflag:s4] =	ssyncset.s32 $0xFFFFF086  }
0x25: {  	[simem:s6], [sflag:s4] =	dma.local [hbm:s3], $0xF7A  }
0x26: {  	[smem:$0x3F92] =	sst s1;
	(tag) =	ssettag s2;
	_ =	strace s9  }
0x27: {  	s1 =	sld [smem:$0x3FA2]  }
0x28: {  	s2 =	sld [smem:$0x3FA3]  }
0x29: {  	s4 =	sld [smem:$0x3FA5]  }
0x2a: {  	p0 =	seq.s32 s5, $0x0;
	s5 =	sld [smem:$0x3FA6]  }
0x2b: {  	s6 =	sld [smem:$0x3FA7]  }
0x2c: {  	s7 =	sld [smem:$0x3FA8]  }
0x2d: {  	s3 =	simm.s32 $0x108;
	s8 =	sld [smem:$0x3FA9]  }
0x2e: {  	s3 =	simm.s32 @!p0 $0x1082;
	s9 =	sld [smem:$0x3FAA]  }
0x2f: {  	lr =	sadd.s32 s0, s3;
	s0 =	sld [smem:$0x3FA1]  }
0x30: {  	s3 =	sld [smem:$0x3FA4]  }
0x31: {  	[smem:$0x3FAD] =	sst s10  }
0x32: {  	s10 =	sld [smem:$0x3FAB];
	_ =	sdelay $0x3  }
0x33: {  	p0 =	seq.s32 s10, $0x1;
	s10 =	sld [smem:$0x3FAD];
	_ =	sdelay $0x3  }
0x34: {  	[smem:$0x3FAD] =	sst s10  }
0x35: {  	s10 =	sld [smem:$0x3FAC];
	_ =	sdelay $0x3  }
0x36: {  	p1 =	seq.s32 s10, $0x1;
	s10 =	sld [smem:$0x3FAD];
	_ =	sdelay $0x3  }
0x37: {  	[smem:$0x3FAD] =	sst s10  }
0x38: {  	s10 =	sld [smem:$0x3FAE]  }
0x39: {  	_ = 	snop;
	(pc) =	sbr.ind lr, $3  }
0x3a: {  	_ = 	snop  }
0x3b: {  	_ = 	snop  }
0x3c: {  	p2 =	seq.s32 s10, $0x1;
	s10 =	sld [smem:$0x3FAD]  }
0x3d: {  	_ =	shalt  }
0x3e: {  	_ =	shalt  }
0x3f: {  	_ =	shalt  }
0x40: {  	_ =	shalt  }
0x41: {  	_ =	shalt  }
0x42: {  	_ =	shalt  }
0x43: {  	_ =	shalt  }
0x44: {  	_ =	shalt  }
0x45: {  	_ =	shalt  }
0x46: {  	_ =	shalt  }
0x47: {  	_ =	shalt  }
0x48: {  	_ =	shalt  }
0x49: {  	_ =	shalt  }
0x4a: {  	_ =	shalt  }
0x4b: {  	_ =	shalt  }
0x4c: {  	_ =	shalt  }
0x4d: {  	_ =	shalt  }
0x4e: {  	_ =	shalt  }
0x4f: {  	_ =	shalt  }
0x50: {  	_ =	shalt  }
0x51: {  	_ =	shalt  }
0x52: {  	_ =	shalt  }
0x53: {  	_ =	shalt  }
0x54: {  	_ =	shalt  }
0x55: {  	_ =	shalt  }
0x56: {  	_ =	shalt  }
0x57: {  	_ =	shalt  }
0x58: {  	_ =	shalt  }
0x59: {  	_ =	shalt  }
0x5a: {  	_ =	shalt  }
0x5b: {  	_ =	shalt  }
0x5c: {  	_ =	shalt  }
0x5d: {  	_ =	shalt  }
0x5e: {  	_ =	shalt  }
0x5f: {  	_ =	shalt  }
0x60: {  	_ =	shalt  }
0x61: {  	_ =	shalt  }
0x62: {  	_ =	shalt  }
0x63: {  	_ =	shalt  }
0x64: {  	_ =	shalt  }
0x65: {  	_ =	shalt  }
0x66: {  	_ =	shalt  }
0x67: {  	_ =	shalt  }
0x68: {  	_ =	shalt  }
0x69: {  	_ =	shalt  }
0x6a: {  	_ =	shalt  }
0x6b: {  	_ =	shalt  }
0x6c: {  	_ =	shalt  }
0x6d: {  	_ =	shalt  }
0x6e: {  	_ =	shalt  }
0x6f: {  	_ =	shalt  }
0x70: {  	_ =	shalt  }
0x71: {  	_ =	shalt  }
0x72: {  	_ =	shalt  }
0x73: {  	_ =	shalt  }
0x74: {  	_ =	shalt  }
0x75: {  	_ =	shalt  }
0x76: {  	_ =	shalt  }
0x77: {  	_ =	shalt  }
0x78: {  	_ =	shalt  }
0x79: {  	_ =	shalt  }
0x7a: {  	_ =	shalt  }
0x7b: {  	_ =	shalt  }
0x7c: {  	_ =	shalt  }
0x7d: {  	_ =	shalt  }
0x7e: {  	_ =	shalt  }
0x7f: {  	_ =	shalt  }
0x80: {  	_ =	shalt  }
0x81: {  	_ =	shalt  }
0x82: {  	_ =	shalt  }
0x83: {  	_ =	shalt  }
0x84: {  	_ =	shalt  }
0x85: {  	_ =	shalt  }
0x86: {  	_ =	shalt  }
0x87: {  	_ =	shalt  }
.Lfunc_end0:
.L_simem_size_0:
called_computation_lowered:
.L_overlay_start_0:
0x88: {  	s2 =	sld [smem:$0x3FD9]  }
0x89: {  	s3 =	sld [smem:$0x3FFE];
	_ =	sdelay $0x1  }
0x8a: {  	s1 =	srdreg.scid  }
0x8b: {  	s0 =	sand.u32 $0x1, s1  }
0x8c: {  	s16 =	sshll.u32 s0, $0xA;
	s2 =	sadd.s32 s3, s2  }
0x8d: {  	s2 =	sadd.s32 s2, s16  }
0x8e: {  	[smem:$0x3FB9] =	sst s2  }
0x8f: {  	_ = 	snop  }
0x90: {  	(tm) =	ssettm $0x1  }
0x91: {  	s17 =	sld [smem:$0x3FFB];
	_ =	sdelay $0x3  }
0x92: {  	_ =	strace s17  }
0x93: {  	s2 =	sld [smem:$0x3FFC];
	_ =	sdelay $0x3  }
0x94: {  	_ =	strace s2  }
0x95: {  	s2 =	sld [smem:$0x3FFD];
	_ =	sdelay $0x3  }
0x96: {  	_ =	strace s2  }
0x97: {  	_ =	strace $0x8FFFFFFF  }
0x98: {  	s18 =	sld [smem:$0x3FDB];
	_ =	sdelay $0x1  }
0x99: {  	s19 =	simm.s32 $_scs_section_size  }
0x9a: {  	s4 =	simm.s32 $_size__tile_overlayer_lowered;
	s5 =	simm.s32 $_tile_overlayer_lowered  }
0x9b: {  	s22 =	simm.s32 $0x1BFF;
	s21 =	sshll.u32 s5, $0x1;
	s2 =	sadd.s32 s19, s18  }
0x9c: {  	s6 =	simm.s32 $0x0;
	s20 =	sshll.u32 s4, $0x1;
	s4 =	sadd.s32 s21, s2  }
0x9d: {  	[timem:s6], [sflag:s22] =	dma.local [hbm:s4], s20  }
0x9e: {  	_ =	swait.ge [sflag:s22], s20  }
0x9f: {  	s3 =	ssub.s32 $0x0, s20;
	[sflag:s22] =	ssyncset.done $0x0  }
0xa0: {  	[sflag:s22] =	ssyncadd.s32 s3;
	_ =	sdelay $0x1  }
0xa1: {  	s23 =	simm.s32 $0x1B8B  }
0xa2: {  	_ =	swait.ge [sflag:s23], $0x1  }
0xa3: {  	[sflag:s23] =	ssyncset.done $0x0  }
0xa4: {  	s25 =	simm.s32 $0x1B8E;
	s24 =	sld [smem:$0x3FFE];
	[sflag:s23] =	ssyncadd.s32 $0xFFFFFFFF  }
0xa5: {  	s26 =	simm.s32 $execute0_lowered;
	[smem:$0x3FD2] =	sst s25  }
0xa6: {  	s4 =	sshll.u32 s26, $0x1;
	_ =	strace $0x80000046;
	[dreg:$0x1] =	wrdreg $0xFFFFFFFF  }
0xa7: {  	s28 =	simm.s32 $_size_execute0_lowered;
	s2 =	sadd.s32 s2, s4;
	[dreg:$0x0] =	wrdreg $0x0  }
0xa8: {  	s4 =	sshll.u32 s28, $0x1;
	[dreg:$0x2] =	wrdreg s2  }
0xa9: {  	[dreg:$0x3] =	wrdreg s4  }
0xaa: {  	[dreg:$0x4] =	wrdreg $0xC0  }
0xab: {  	_ =	task [dreg:s6], $0x5FFFF  }
0xac: {  	[dreg:$0x1] =	wrdreg $0xFFFFFFFF  }
0xad: {  	[dreg:$0x0] =	wrdreg $0x60  }
0xae: {  	[dreg:$0x2] =	wrdreg s24  }
0xaf: {  	[dreg:$0x3] =	wrdreg $0xFF000  }
0xb0: {  	[dreg:$0x4] =	wrdreg $0x127000  }
0xb1: {  	[dreg:$0x5] =	wrdreg $0xD7000  }
0xb2: {  	[dreg:$0x6] =	wrdreg $0x9  }
0xb3: {  	_ =	task.clear_ibuf [dreg:s6], $0x7FFFF;
	_ =	strace $0x90000046  }
0xb4: {  	s29 =	simm.s32 $0x9;
	_ =	strace $0x80000048  }
0xb5: {  	_ =	swait.ge [sflag:s29], $0x1  }
0xb6: {  	[sflag:s29] =	ssyncadd.s32 $0xFFFFFFFF  }
0xb7: {  	_ =	strace $0x90000048  }
0xb8: {  	_ =	sfence  }
0xb9: {  	s30 =	sld [smem:$0x0];
	_ =	sdelay $0x2  }
0xba: {  	s31 =	sshll.u32 s1, $0xD;
	s1 =	sshrl.u32 s1, $0x2  }
0xbb: {  	s3 =	sand.u32 $0x4000, s31;
	s1 =	sadd.s32 s1, s30  }
0xbc: {  	s0 =	sor.u32 s3, s0;
	s1 =	sshll.u32 s1, $0x11  }
0xbd: {  	s0 =	sor.u32 s1, s0  }
0xbe: {  	s0 =	sadd.s32 $0x8F2B, s0  }
0xbf: {  	[sflag:s0] =	ssyncadd.remote.s32 $0x1  }
0xc0: {  	_ =	sfence.sel $0xFFFF  }
0xc1: {  	[dreg:$0x0] =	wrdreg $0xFFFFFFFF;
	(pc) =	sbr.abs _section_cstart, $3  }
0xc2: {  	[dreg:$0x1] =	wrdreg $0xFFFFFFFF  }
0xc3: {  	_ =	task.clear_ibuf [dreg:s6], $0x2FFFF;
	_ =	strace $0x9FFFFFFF  }
0xc4: {  	(tm) =	ssettm $0x7FFFFFFF  }
0xc5: {  	_ =	shalt  }
tec
execute0_lowered:
.L_overlay_start_1:
0x0: {  	(tag) =	ssettag $0x1  }
0x1: {  	s0 =	rddreg [dreg:$0x0]  }
0x2: {  	s2 =	rddreg [dreg:$0x1]  }
0x3: {  	s3 =	rddreg [dreg:$0x2]  }
0x4: {  	s16 =	stileid.u32;
	s4 =	rddreg [dreg:$0x3]  }
0x5: {  	s5 =	simm.s32 $0x0;
	s6 =	srdreg.scid;
	s28 =	simm.s32 $0x7F00  }
0x6: {  	s29 =	simm.s32 $0x5700;
	s30 =	simm.s32 $0x8700;
	s31 =	simm.s32 $0x5F00  }
0x7: {  	s1 =	smul.u32 $0x2800, s16;
	[smem:$0x7FF] =	sst s5;
	s6 =	sand.u32 $0x1, s6  }
0x8: {  	s21 =	sadd.s32 $0x4E8C00, s0;
	s9 =	sadd.s32 $0x10A00, s0;
	s10 =	sadd.s32 $0x6C00, s0  }
0x9: {  	s12 =	sshll.u32 s16, $0x1;
	s15 =	smul.u32 $0x9C, s16;
	p0 =	seq.s32 s16, $0xF  }
0xa: {  	p1 =	sgt.u32 s16, $0x1;
	_ =	strace $0x80000047;
	s8 =	smul.u32 $0x28000, s6  }
0xb: {  	s11 =	ssub.s32 $0x2, s6;
	s12 =	sor.u32 s6, s12;
	s22 =	smul.u32 $0x4E, s6  }
0xc: {  	s6 =	smul.u32 $0x4E00, s6;
	s7 =	sshrl.u32 s1, $0x3;
	s13 =	sshrl.u32 s11, $0x1  }
0xd: {  	s20 =	smul.u32 $0x4E0, s12;
	s19 =	sadd.s32 s1, s3;
	s24 =	sshll.u32 s12, $0x4  }
0xe: {  	s7 =	sadd.s32 s7, s0;
	s8 =	sadd.s32 s1, s8;
	s11 =	ssub.s32 s11, s13  }
0xf: {  	[dreg:$0xa] =	wrdreg s19;
	s8 =	sshrl.u32 s8, $0x3;
	s7 =	sadd.s32 $0x1C00, s7  }
0x10: {  	s23 =	sadd.s32 s9, s20;
	s25 =	sadd.s32 s10, s20;
	[dreg:$0xb] =	wrdreg s7  }
0x11: {  	s20 =	smul.u32 $0x9C00, s16;
	s16 =	simm.s32 $0x0;
	[dreg:$0xe] =	wrdreg s23  }
0x12: {  	s14 =	sadd.s32 s8, s0;
	s0 =	sadd.s32 $0x6700, s0;
	[dreg:$0xf] =	wrdreg s25  }
0x13: {  	s8 =	sadd.s32 s1, s2;
	s1 =	sadd.s32 s1, s4;
	[dreg:$0xc] =	wrdreg s0  }
0x14: {  	[dreg:$0xd] =	wrdreg s1;
	s1 =	sor.u32 $0x9C00, s24;
	s0 =	sadd.s32 s22, s15  }
0x15: {  	s23 =	sadd.s32 $0x1A800, s14;
	s25 =	sadd.s32 $0x24800, s14;
	[dreg:$0x9] =	wrdreg s8  }
0x16: {  	s14 =	simm.s32 $0x2;
	s26 =	sadd.s32 s9, s1;
	[dreg:$0x13] =	wrdreg s23  }
0x17: {  	s9 =	sshll.u32 s12, $0x8;
	s0 =	sshll.u32 s0, $0x8;
	[dreg:$0x14] =	wrdreg s25  }
0x18: {  	s1 =	sadd.s32 s10, s1;
	s23 =	simm.s32 $0x4;
	[dreg:$0x10] =	wrdreg s26  }
0x19: {  	s25 =	simm.s32 $0x4F00;
	s10 =	simm.s32 $0x9F00;
	[dreg:$0x11] =	wrdreg s1  }
0x1a: {  	s12 =	sadd.s32 s9, s21;
	s13 =	sor.u32 $0x100, s0;
	s17 =	sadd.s32 $0x400, s0  }
0x1b: {  	s18 =	sadd.s32 $0x200, s0;
	s0 =	sadd.s32 s6, s20;
	s26 =	smax.u32 s11, $0x1  }
0x1c: {  	s20 =	simm.s32 $0xAF00;
	s9 =	simm.s32 $0x6F00;
	[dreg:$0x5] =	wrdreg s13  }
0x1d: {  	s11 =	simm.s32 $0x7700;
	s1 =	sadd.s32 $0x9C000, s12;
	[dreg:$0x15] =	wrdreg s26  }
0x1e: {  	s15 =	sand.u32 $0x1FFE00, s17;
	s22 =	sand.u32 $0x1FFE00, s18;
	[dreg:$0x8] =	wrdreg s0  }
0x1f: {  	s26 =	simm.s32 $0x80;
	s0 =	simm.s32 $0x6700;
	s12 =	simm.s32 $0xA700  }
0x20: {  	s13 =	simm.s32 $0x1;
	[dreg:$0x12] =	wrdreg s1;
	s1 =	sor.u32 $0x100, s15  }
0x21: {  	s24 =	sor.u32 $0x100, s22;
	s15 =	simm.s32 $0x3;
	[dreg:$0x6] =	wrdreg s1  }
0x22: {  	v0 =	vimm.f32 $0.0e+00;
	[dreg:$0x7] =	wrdreg s24;
	s1 =	simm.s32 $0x8F00;
	s24 =	simm.s32 $0x9700  }
.LBB2_1:
0x23: {  	s6 =	simm.s32 $0x40;
	s7 =	simm.s32 $0x0  }
.LBB2_2:
0x24: {  	p2 =	sne.s32 s6, $0x9FC0;
	[tilespmem:s7+$0xAF00] =	vst v0;
	s7 =	smov.u32 s6;
	s6 =	sadd.s32 $0x40, s6  }
.Ltmp0:
0x25: {  	(pc) =	sbr.rel @p2 .LBB2_2-.Ltmp0, $2  }
0x26: {  	_ =	sdelay $0x2  }
0x27: {  	s7 =	sshra.s32 s7, $0x2  }
0x28: {  	[tilespmem:s7+$0xAF00] =	vst v0  }
0x29: {  	[spmem:s8] =	stream.linear.scatter [tilespmem:s20], [sflag:$0x4], $0x2800, $0x38;
	[tilespmem:$0x14F00] =	vst v63  }
0x2a: {  	_ =	swait.ge [sflag:s23], $0x2800  }
0x2b: {  	[sflag:s23] =	ssyncset.done $0x0  }
0x2c: {  	[sflag:s23] =	ssyncadd.s32 $0xFFFFD800  }
0x2d: {  	[spmem:s19] =	stream.linear.scatter [tilespmem:s20], [sflag:$0x4], $0x2800, $0x38;
	[tilespmem:$0x14F00] =	vst v63  }
0x2e: {  	_ =	swait.ge [sflag:s23], $0x2800  }
0x2f: {  	s6 =	simm.s32 @p0 $0x0;
	[sflag:s23] =	ssyncset.done $0x0  }
0x30: {  	s7 =	simm.s32 @p0 $0xAF00;
	s8 =	rddreg [dreg:$0xc];
	[sflag:s23] =	ssyncadd.s32 $0xFFFFD800  }
0x31: {  	[tilespmem:s7], [sflag:$0x4] =	stream.linear.gather @p0 [hbm4b:s8+s6], $0x1900, $0x38;
	[tilespmem:$0x14F00] =	vst v63  }
0x32: {  	s6 =	simm.s32 @p0 $0x4  }
0x33: {  	_ =	swait.ge @p0 [sflag:s6], $0x1900  }
0x34: {  	s7 =	simm.s32 @!p0 $0xAF00;
	[sflag:s6] =	ssyncset.done @p0 $0x0  }
0x35: {  	s8 =	rddreg [dreg:$0xb];
	[sflag:s6] =	ssyncadd.s32 @p0 $0xFFFFE700;
	s6 =	simm.s32 @!p0 $0x0  }
0x36: {  	[tilespmem:s7], [sflag:$0x4] =	stream.linear.gather @!p0 [hbm4b:s8+s6], $0x2800, $0x38;
	[tilespmem:$0x14F00] =	vst v63  }
0x37: {  	s6 =	simm.s32 @!p0 $0x4  }
0x38: {  	_ =	swait.ge @!p0 [sflag:s6], $0x2800  }
0x39: {  	[sflag:s6] =	ssyncset.done @!p0 $0x0  }
0x3a: {  	s19 =	rddreg [dreg:$0xd];
	[sflag:s6] =	ssyncadd.s32 @!p0 $0xFFFFD800  }
0x3b: {  	[spmem:s19] =	stream.linear.scatter [tilespmem:s20], [sflag:$0x4], $0x2800, $0x38;
	[tilespmem:$0x14F00] =	vst v63  }
0x3c: {  	_ =	swait.ge [sflag:s23], $0x2800  }
0x3d: {  	[sflag:s23] =	ssyncset.done $0x0  }
0x3e: {  	[sflag:s23] =	ssyncadd.s32 $0xFFFFD800  }
0x3f: {  	[bflag:$0x0] =	sbarrier.arrive $0xFFFF  }
0x40: {  	s22 =	rddreg [dreg:$0xe]  }
0x41: {  	[tilespmem:s5], [sflag:$0x4] =	stream.linear.gather [hbm4b:s22+s5], $0x2700, $0x38;
	[tilespmem:$0x14F00] =	vst v63  }
0x42: {  	_ =	swait.ge [sflag:s23], $0x2700  }
0x43: {  	[sflag:s23] =	ssyncset.done $0x0  }
0x44: {  	s8 =	simm.s32 $0x2780;
	s7 =	rddreg [dreg:$0xf];
	[sflag:s23] =	ssyncadd.s32 $0xFFFFD900  }
0x45: {  	[tilespmem:s8], [sflag:$0x4] =	stream.linear.gather [hbm4b:s7+s5], $0x2700, $0x38;
	[tilespmem:$0x14F00] =	vst v63  }
0x46: {  	_ =	swait.ge [sflag:s23], $0x2700  }
0x47: {  	s6 =	simm.s32 @!p1 $0x0;
	[sflag:s23] =	ssyncset.done $0x0  }
0x48: {  	s7 =	simm.s32 @!p1 $0x2700;
	s8 =	rddreg [dreg:$0x10];
	[sflag:s23] =	ssyncadd.s32 $0xFFFFD900  }
0x49: {  	[tilespmem:s7], [sflag:$0x4] =	stream.linear.gather @!p1 [hbm4b:s8+s6], $0x80, $0x38;
	[tilespmem:$0x14F00] =	vst v63  }
0x4a: {  	s7 =	simm.s32 @!p1 $0x4  }
0x4b: {  	_ =	swait.ge @!p1 [sflag:s7], $0x80  }
0x4c: {  	[sflag:s7] =	ssyncset.done @!p1 $0x0  }
0x4d: {  	s19 =	simm.s32 @!p1 $0x4E80;
	s8 =	rddreg [dreg:$0x11];
	[sflag:s7] =	ssyncadd.s32 @!p1 $0xFFFFFF80  }
0x4e: {  	[tilespmem:s19], [sflag:$0x4] =	stream.linear.gather @!p1 [hbm4b:s8+s6], $0x80, $0x38;
	[tilespmem:$0x14F00] =	vst v63  }
0x4f: {  	_ =	swait.ge @!p1 [sflag:s7], $0x80  }
0x50: {  	s19 =	rddreg [dreg:$0x8];
	[sflag:s7] =	ssyncset.done @!p1 $0x0  }
0x51: {  	[sflag:s7] =	ssyncadd.s32 @!p1 $0xFFFFFF80;
	s6 =	sadd.s32 s21, s19  }
0x52: {  	[tilespmem:s25], [sflag:$0x1] =	stream.linear.gather [hbm4b:s6+s5], $0x800, $0x38;
	[tilespmem:$0x14F00] =	vst v63  }
0x53: {  	s22 =	simm.s32 $0x0;
	s20 =	rddreg [dreg:$0x5]  }
0x54: {  	[tilespmem:s28], [sflag:$0x2] =	stream.indirect.gather [spmem:s4], $0x10, s22, s26, $0xb8;
	[tilespmem:$0x14F00] =	vst v63  }
0x55: {  	s7 =	sadd.s32 s21, s20  }
0x56: {  	[tilespmem:s29], [sflag:$0x1] =	stream.linear.gather [hbm4b:s7+s5], $0x800, $0x38;
	[tilespmem:$0x14F00] =	vst v63  }
0x57: {  	s8 =	simm.s32 $0x80  }
0x58: {  	[tilespmem:s30], [sflag:$0x2] =	stream.indirect.gather [spmem:s4], $0x10, s8, s26, $0xb8;
	[tilespmem:$0x14F00] =	vst v63  }
0x59: {  	s19 =	sadd.s32 s21, s18  }
0x5a: {  	[tilespmem:s31], [sflag:$0x1] =	stream.linear.gather [hbm4b:s19+s5], $0x800, $0x38;
	[tilespmem:$0x14F00] =	vst v63  }
0x5b: {  	s20 =	rddreg [dreg:$0x7];
	s22 =	simm.s32 $0x100  }
0x5c: {  	[tilespmem:s1], [sflag:$0x2] =	stream.indirect.gather [spmem:s4], $0x10, s22, s26, $0xb8;
	[tilespmem:$0x14F00] =	vst v63  }
0x5d: {  	s8 =	sadd.s32 s21, s20  }
0x5e: {  	[tilespmem:s0], [sflag:$0x1] =	stream.linear.gather [hbm4b:s8+s5], $0x800, $0x38;
	[tilespmem:$0x14F00] =	vst v63  }
0x5f: {  	s19 =	simm.s32 $0x180  }
0x60: {  	[tilespmem:s24], [sflag:$0x2] =	stream.indirect.gather [spmem:s4], $0x10, s19, s26, $0xb8;
	[tilespmem:$0x14F00] =	vst v63  }
0x61: {  	s20 =	sadd.s32 s21, s17  }
0x62: {  	[tilespmem:s9], [sflag:$0x1] =	stream.linear.gather [hbm4b:s20+s5], $0x800, $0x38;
	[tilespmem:$0x14F00] =	vst v63  }
0x63: {  	s22 =	rddreg [dreg:$0x6];
	s8 =	simm.s32 $0x200  }
0x64: {  	[tilespmem:s10], [sflag:$0x2] =	stream.indirect.gather [spmem:s4], $0x10, s8, s26, $0xb8;
	[tilespmem:$0x14F00] =	vst v63  }
0x65: {  	s19 =	sadd.s32 s21, s22  }
0x66: {  	[tilespmem:s11], [sflag:$0x1] =	stream.linear.gather [hbm4b:s19+s5], $0x800, $0x38;
	[tilespmem:$0x14F00] =	vst v63  }
0x67: {  	s20 =	simm.s32 $0x280  }
0x68: {  	[tilespmem:s12], [sflag:$0x2] =	stream.indirect.gather [spmem:s4], $0x10, s20, s26, $0xb8;
	[tilespmem:$0x14F00] =	vst v63  }
0x69: {  	_ =	swait.ge [sflag:s13], $0x800  }
0x6a: {  	[sflag:s13] =	ssyncset.done $0x0  }
0x6b: {  	[sflag:s13] =	ssyncadd.s32 $0xFFFFF800  }
0x6c: {  	_ =	swait.ge [sflag:s14], $0x800  }
0x6d: {  	[sflag:s14] =	ssyncset.done $0x0  }
0x6e: {  	[sflag:s14] =	ssyncadd.s32 $0xFFFFF800  }
0x6f: {  	_ =	swait.ge [sflag:s13], $0x800  }
0x70: {  	[sflag:s13] =	ssyncset.done $0x0  }
0x71: {  	[sflag:s13] =	ssyncadd.s32 $0xFFFFF800  }
0x72: {  	_ =	swait.ge [sflag:s14], $0x800  }
0x73: {  	[sflag:s14] =	ssyncset.done $0x0  }
0x74: {  	[sflag:s14] =	ssyncadd.s32 $0xFFFFF800  }
0x75: {  	_ =	swait.ge [sflag:s13], $0x800  }
0x76: {  	[sflag:s13] =	ssyncset.done $0x0  }
0x77: {  	[sflag:s13] =	ssyncadd.s32 $0xFFFFF800  }
0x78: {  	_ =	swait.ge [sflag:s14], $0x800  }
0x79: {  	[sflag:s14] =	ssyncset.done $0x0  }
0x7a: {  	[sflag:s14] =	ssyncadd.s32 $0xFFFFF800  }
0x7b: {  	_ =	swait.ge [sflag:s13], $0x800  }
0x7c: {  	[sflag:s13] =	ssyncset.done $0x0  }
0x7d: {  	[sflag:s13] =	ssyncadd.s32 $0xFFFFF800  }
0x7e: {  	_ =	swait.ge [sflag:s14], $0x800  }
0x7f: {  	[sflag:s14] =	ssyncset.done $0x0  }
0x80: {  	[sflag:s14] =	ssyncadd.s32 $0xFFFFF800  }
0x81: {  	_ =	swait.ge [sflag:s13], $0x800  }
0x82: {  	[sflag:s13] =	ssyncset.done $0x0  }
0x83: {  	[sflag:s13] =	ssyncadd.s32 $0xFFFFF800  }
0x84: {  	_ =	swait.ge [sflag:s14], $0x800  }
0x85: {  	[sflag:s14] =	ssyncset.done $0x0  }
0x86: {  	[sflag:s14] =	ssyncadd.s32 $0xFFFFF800  }
0x87: {  	_ =	swait.ge [sflag:s13], $0x800  }
0x88: {  	[sflag:s13] =	ssyncset.done $0x0  }
0x89: {  	[sflag:s13] =	ssyncadd.s32 $0xFFFFF800  }
0x8a: {  	_ =	swait.ge [sflag:s14], $0x800  }
0x8b: {  	[sflag:s14] =	ssyncset.done $0x0  }
0x8c: {  	s22 =	simm.s32 $0x2780;
	[sflag:s14] =	ssyncadd.s32 $0xFFFFF800  }
0x8d: {  	[spmem:s3] =	stream.indirect.scatter.add.f32 [tilespmem:s25], [sflag:$0x3], $0x10, s22, s26, $0xb8;
	[tilespmem:$0x14F00] =	vst v63  }
0x8e: {  	_ = 	snop  }
0x8f: {  	[spmem:s2] =	stream.indirect.scatter.add.f32 [tilespmem:s28], [sflag:$0x3], $0x10, s22, s26, $0xb8;
	[tilespmem:$0x14F00] =	vst v63  }
0x90: {  	s7 =	simm.s32 $0x2800  }
0x91: {  	[spmem:s3] =	stream.indirect.scatter.add.f32 [tilespmem:s29], [sflag:$0x3], $0x10, s7, s26, $0xb8;
	[tilespmem:$0x14F00] =	vst v63  }
0x92: {  	_ = 	snop  }
0x93: {  	[spmem:s2] =	stream.indirect.scatter.add.f32 [tilespmem:s30], [sflag:$0x3], $0x10, s7, s26, $0xb8;
	[tilespmem:$0x14F00] =	vst v63  }
0x94: {  	s8 =	simm.s32 $0x2880  }
0x95: {  	[spmem:s3] =	stream.indirect.scatter.add.f32 [tilespmem:s31], [sflag:$0x3], $0x10, s8, s26, $0xb8;
	[tilespmem:$0x14F00] =	vst v63  }
0x96: {  	_ = 	snop  }
0x97: {  	[spmem:s2] =	stream.indirect.scatter.add.f32 [tilespmem:s1], [sflag:$0x3], $0x10, s8, s26, $0xb8;
	[tilespmem:$0x14F00] =	vst v63  }
0x98: {  	s19 =	simm.s32 $0x2900  }
0x99: {  	[spmem:s3] =	stream.indirect.scatter.add.f32 [tilespmem:s0], [sflag:$0x3], $0x10, s19, s26, $0xb8;
	[tilespmem:$0x14F00] =	vst v63  }
0x9a: {  	_ = 	snop  }
0x9b: {  	[spmem:s2] =	stream.indirect.scatter.add.f32 [tilespmem:s24], [sflag:$0x3], $0x10, s19, s26, $0xb8;
	[tilespmem:$0x14F00] =	vst v63  }
0x9c: {  	s20 =	simm.s32 $0x2980  }
0x9d: {  	[spmem:s3] =	stream.indirect.scatter.add.f32 [tilespmem:s9], [sflag:$0x3], $0x10, s20, s26, $0xb8;
	[tilespmem:$0x14F00] =	vst v63  }
0x9e: {  	_ = 	snop  }
0x9f: {  	[spmem:s2] =	stream.indirect.scatter.add.f32 [tilespmem:s10], [sflag:$0x3], $0x10, s20, s26, $0xb8;
	[tilespmem:$0x14F00] =	vst v63  }
0xa0: {  	s22 =	simm.s32 $0x2A00  }
0xa1: {  	[spmem:s3] =	stream.indirect.scatter.add.f32 [tilespmem:s11], [sflag:$0x3], $0x10, s22, s26, $0xb8;
	[tilespmem:$0x14F00] =	vst v63  }
0xa2: {  	_ = 	snop  }
0xa3: {  	[spmem:s2] =	stream.indirect.scatter.add.f32 [tilespmem:s12], [sflag:$0x3], $0x10, s22, s26, $0xb8;
	[tilespmem:$0x14F00] =	vst v63  }
0xa4: {  	_ =	swait.ge [sflag:s15], $0x800  }
0xa5: {  	[sflag:s15] =	ssyncset.done $0x0  }
0xa6: {  	[sflag:s15] =	ssyncadd.s32 $0xFFFFF800  }
0xa7: {  	_ =	swait.ge [sflag:s15], $0x800  }
0xa8: {  	[sflag:s15] =	ssyncset.done $0x0  }
0xa9: {  	[sflag:s15] =	ssyncadd.s32 $0xFFFFF800  }
0xaa: {  	_ =	swait.ge [sflag:s15], $0x800  }
0xab: {  	[sflag:s15] =	ssyncset.done $0x0  }
0xac: {  	[sflag:s15] =	ssyncadd.s32 $0xFFFFF800  }
0xad: {  	_ =	swait.ge [sflag:s15], $0x800  }
0xae: {  	[sflag:s15] =	ssyncset.done $0x0  }
0xaf: {  	[sflag:s15] =	ssyncadd.s32 $0xFFFFF800  }
0xb0: {  	_ =	swait.ge [sflag:s15], $0x800  }
0xb1: {  	[sflag:s15] =	ssyncset.done $0x0  }
0xb2: {  	[sflag:s15] =	ssyncadd.s32 $0xFFFFF800  }
0xb3: {  	_ =	swait.ge [sflag:s15], $0x800  }
0xb4: {  	[sflag:s15] =	ssyncset.done $0x0  }
0xb5: {  	[sflag:s15] =	ssyncadd.s32 $0xFFFFF800  }
0xb6: {  	_ =	swait.ge [sflag:s15], $0x800  }
0xb7: {  	[sflag:s15] =	ssyncset.done $0x0  }
0xb8: {  	[sflag:s15] =	ssyncadd.s32 $0xFFFFF800  }
0xb9: {  	_ =	swait.ge [sflag:s15], $0x800  }
0xba: {  	[sflag:s15] =	ssyncset.done $0x0  }
0xbb: {  	[sflag:s15] =	ssyncadd.s32 $0xFFFFF800  }
0xbc: {  	_ =	swait.ge [sflag:s15], $0x800  }
0xbd: {  	[sflag:s15] =	ssyncset.done $0x0  }
0xbe: {  	[sflag:s15] =	ssyncadd.s32 $0xFFFFF800  }
0xbf: {  	_ =	swait.ge [sflag:s15], $0x800  }
0xc0: {  	[sflag:s15] =	ssyncset.done $0x0  }
0xc1: {  	[sflag:s15] =	ssyncadd.s32 $0xFFFFF800  }
0xc2: {  	_ =	swait.ge [sflag:s15], $0x800  }
0xc3: {  	[sflag:s15] =	ssyncset.done $0x0  }
0xc4: {  	[sflag:s15] =	ssyncadd.s32 $0xFFFFF800  }
0xc5: {  	s6 =	smov.u32 s21;
	s19 =	simm.s32 $0xC00;
	_ =	swait.ge [sflag:s15], $0x800  }
0xc6: {  	s20 =	simm.s32 $0x1800;
	s7 =	rddreg [dreg:$0x8];
	[sflag:s15] =	ssyncset.done $0x0  }
.LBB2_4:
0xc7: {  	s6 =	sadd.s32 $0x600, s6  }
0xc8: {  	[sflag:s15] =	ssyncadd.s32 $0xFFFFF800;
	s7 =	sadd.s32 s6, s7  }
0xc9: {  	[tilespmem:s25], [sflag:$0x1] =	stream.linear.gather [hbm4b:s7+s5], $0x800, $0x38;
	[tilespmem:$0x14F00] =	vst v63  }
0xca: {  	s22 =	rddreg [dreg:$0x5];
	s7 =	sshra.s32 s19, $0x2  }
0xcb: {  	[tilespmem:s28], [sflag:$0x2] =	stream.indirect.gather [spmem:s4], $0x10, s7, s26, $0xb8;
	[tilespmem:$0x14F00] =	vst v63  }
0xcc: {  	s22 =	sadd.s32 s6, s22  }
0xcd: {  	[tilespmem:s29], [sflag:$0x1] =	stream.linear.gather [hbm4b:s22+s5], $0x800, $0x38;
	[tilespmem:$0x14F00] =	vst v63  }
0xce: {  	s8 =	smov.u32 s20;
	s22 =	sadd.s32 $0x80, s7  }
0xcf: {  	[tilespmem:s30], [sflag:$0x2] =	stream.indirect.gather [spmem:s4], $0x10, s22, s26, $0xb8;
	[tilespmem:$0x14F00] =	vst v63  }
0xd0: {  	s19 =	smov.u32 s8;
	s8 =	sadd.s32 s6, s18  }
0xd1: {  	[tilespmem:s31], [sflag:$0x1] =	stream.linear.gather [hbm4b:s8+s5], $0x800, $0x38;
	[tilespmem:$0x14F00] =	vst v63  }
0xd2: {  	s22 =	rddreg [dreg:$0x7];
	s8 =	sadd.s32 $0x100, s7  }
0xd3: {  	[tilespmem:s1], [sflag:$0x2] =	stream.indirect.gather [spmem:s4], $0x10, s8, s26, $0xb8;
	[tilespmem:$0x14F00] =	vst v63  }
0xd4: {  	s22 =	sadd.s32 s6, s22  }
0xd5: {  	[tilespmem:s0], [sflag:$0x1] =	stream.linear.gather [hbm4b:s22+s5], $0x800, $0x38;
	[tilespmem:$0x14F00] =	vst v63  }
0xd6: {  	s22 =	sadd.s32 $0x180, s7  }
0xd7: {  	[tilespmem:s24], [sflag:$0x2] =	stream.indirect.gather [spmem:s4], $0x10, s22, s26, $0xb8;
	[tilespmem:$0x14F00] =	vst v63  }
0xd8: {  	s8 =	sadd.s32 s6, s17  }
0xd9: {  	[tilespmem:s9], [sflag:$0x1] =	stream.linear.gather [hbm4b:s8+s5], $0x800, $0x38;
	[tilespmem:$0x14F00] =	vst v63  }
0xda: {  	s22 =	rddreg [dreg:$0x6];
	s8 =	sadd.s32 $0x200, s7  }
0xdb: {  	[tilespmem:s10], [sflag:$0x2] =	stream.indirect.gather [spmem:s4], $0x10, s8, s26, $0xb8;
	[tilespmem:$0x14F00] =	vst v63  }
0xdc: {  	s22 =	sadd.s32 s6, s22  }
0xdd: {  	[tilespmem:s11], [sflag:$0x1] =	stream.linear.gather [hbm4b:s22+s5], $0x800, $0x38;
	[tilespmem:$0x14F00] =	vst v63  }
0xde: {  	s22 =	sadd.s32 $0x280, s7  }
0xdf: {  	[tilespmem:s12], [sflag:$0x2] =	stream.indirect.gather [spmem:s4], $0x10, s22, s26, $0xb8;
	[tilespmem:$0x14F00] =	vst v63  }
0xe0: {  	_ =	swait.ge [sflag:s13], $0x800  }
0xe1: {  	[sflag:s13] =	ssyncset.done $0x0  }
0xe2: {  	[sflag:s13] =	ssyncadd.s32 $0xFFFFF800  }
0xe3: {  	_ =	swait.ge [sflag:s14], $0x800  }
0xe4: {  	[sflag:s14] =	ssyncset.done $0x0  }
0xe5: {  	[sflag:s14] =	ssyncadd.s32 $0xFFFFF800  }
0xe6: {  	_ =	swait.ge [sflag:s13], $0x800  }
0xe7: {  	[sflag:s13] =	ssyncset.done $0x0  }
0xe8: {  	[sflag:s13] =	ssyncadd.s32 $0xFFFFF800  }
0xe9: {  	_ =	swait.ge [sflag:s14], $0x800  }
0xea: {  	[sflag:s14] =	ssyncset.done $0x0  }
0xeb: {  	[sflag:s14] =	ssyncadd.s32 $0xFFFFF800  }
0xec: {  	_ =	swait.ge [sflag:s13], $0x800  }
0xed: {  	[sflag:s13] =	ssyncset.done $0x0  }
0xee: {  	[sflag:s13] =	ssyncadd.s32 $0xFFFFF800  }
0xef: {  	_ =	swait.ge [sflag:s14], $0x800  }
0xf0: {  	[sflag:s14] =	ssyncset.done $0x0  }
0xf1: {  	[sflag:s14] =	ssyncadd.s32 $0xFFFFF800  }
0xf2: {  	_ =	swait.ge [sflag:s13], $0x800  }
0xf3: {  	[sflag:s13] =	ssyncset.done $0x0  }
0xf4: {  	[sflag:s13] =	ssyncadd.s32 $0xFFFFF800  }
0xf5: {  	_ =	swait.ge [sflag:s14], $0x800  }
0xf6: {  	[sflag:s14] =	ssyncset.done $0x0  }
0xf7: {  	[sflag:s14] =	ssyncadd.s32 $0xFFFFF800  }
0xf8: {  	_ =	swait.ge [sflag:s13], $0x800  }
0xf9: {  	[sflag:s13] =	ssyncset.done $0x0  }
0xfa: {  	[sflag:s13] =	ssyncadd.s32 $0xFFFFF800  }
0xfb: {  	_ =	swait.ge [sflag:s14], $0x800  }
0xfc: {  	[sflag:s14] =	ssyncset.done $0x0  }
0xfd: {  	[sflag:s14] =	ssyncadd.s32 $0xFFFFF800  }
0xfe: {  	_ =	swait.ge [sflag:s13], $0x800  }
0xff: {  	[sflag:s13] =	ssyncset.done $0x0  }
0x100: {  	[sflag:s13] =	ssyncadd.s32 $0xFFFFF800  }
0x101: {  	_ =	swait.ge [sflag:s14], $0x800  }
0x102: {  	[sflag:s14] =	ssyncset.done $0x0  }
0x103: {  	s22 =	sadd.s32 $0x2780, s7;
	[sflag:s14] =	ssyncadd.s32 $0xFFFFF800  }
0x104: {  	[spmem:s3] =	stream.indirect.scatter.add.f32 [tilespmem:s25], [sflag:$0x3], $0x10, s22, s26, $0xb8;
	[tilespmem:$0x14F00] =	vst v63  }
0x105: {  	_ = 	snop  }
0x106: {  	[spmem:s2] =	stream.indirect.scatter.add.f32 [tilespmem:s28], [sflag:$0x3], $0x10, s22, s26, $0xb8;
	[tilespmem:$0x14F00] =	vst v63  }
0x107: {  	s22 =	sadd.s32 $0x2800, s7  }
0x108: {  	[spmem:s3] =	stream.indirect.scatter.add.f32 [tilespmem:s29], [sflag:$0x3], $0x10, s22, s26, $0xb8;
	[tilespmem:$0x14F00] =	vst v63  }
0x109: {  	_ = 	snop  }
0x10a: {  	[spmem:s2] =	stream.indirect.scatter.add.f32 [tilespmem:s30], [sflag:$0x3], $0x10, s22, s26, $0xb8;
	[tilespmem:$0x14F00] =	vst v63  }
0x10b: {  	s22 =	sadd.s32 $0x2880, s7  }
0x10c: {  	[spmem:s3] =	stream.indirect.scatter.add.f32 [tilespmem:s31], [sflag:$0x3], $0x10, s22, s26, $0xb8;
	[tilespmem:$0x14F00] =	vst v63  }
0x10d: {  	_ = 	snop  }
0x10e: {  	[spmem:s2] =	stream.indirect.scatter.add.f32 [tilespmem:s1], [sflag:$0x3], $0x10, s22, s26, $0xb8;
	[tilespmem:$0x14F00] =	vst v63  }
0x10f: {  	s22 =	sadd.s32 $0x2900, s7  }
0x110: {  	[spmem:s3] =	stream.indirect.scatter.add.f32 [tilespmem:s0], [sflag:$0x3], $0x10, s22, s26, $0xb8;
	[tilespmem:$0x14F00] =	vst v63  }
0x111: {  	_ = 	snop  }
0x112: {  	[spmem:s2] =	stream.indirect.scatter.add.f32 [tilespmem:s24], [sflag:$0x3], $0x10, s22, s26, $0xb8;
	[tilespmem:$0x14F00] =	vst v63  }
0x113: {  	s22 =	sadd.s32 $0x2980, s7  }
0x114: {  	[spmem:s3] =	stream.indirect.scatter.add.f32 [tilespmem:s9], [sflag:$0x3], $0x10, s22, s26, $0xb8;
	[tilespmem:$0x14F00] =	vst v63  }
0x115: {  	_ = 	snop  }
0x116: {  	[spmem:s2] =	stream.indirect.scatter.add.f32 [tilespmem:s10], [sflag:$0x3], $0x10, s22, s26, $0xb8;
	[tilespmem:$0x14F00] =	vst v63  }
0x117: {  	s7 =	sadd.s32 $0x2A00, s7  }
0x118: {  	[spmem:s3] =	stream.indirect.scatter.add.f32 [tilespmem:s11], [sflag:$0x3], $0x10, s7, s26, $0xb8;
	[tilespmem:$0x14F00] =	vst v63  }
0x119: {  	_ = 	snop  }
0x11a: {  	[spmem:s2] =	stream.indirect.scatter.add.f32 [tilespmem:s12], [sflag:$0x3], $0x10, s7, s26, $0xb8;
	[tilespmem:$0x14F00] =	vst v63  }
0x11b: {  	_ =	swait.ge [sflag:s15], $0x800  }
0x11c: {  	[sflag:s15] =	ssyncset.done $0x0  }
0x11d: {  	[sflag:s15] =	ssyncadd.s32 $0xFFFFF800  }
0x11e: {  	_ =	swait.ge [sflag:s15], $0x800  }
0x11f: {  	[sflag:s15] =	ssyncset.done $0x0  }
0x120: {  	[sflag:s15] =	ssyncadd.s32 $0xFFFFF800  }
0x121: {  	_ =	swait.ge [sflag:s15], $0x800  }
0x122: {  	[sflag:s15] =	ssyncset.done $0x0  }
0x123: {  	[sflag:s15] =	ssyncadd.s32 $0xFFFFF800  }
0x124: {  	_ =	swait.ge [sflag:s15], $0x800  }
0x125: {  	[sflag:s15] =	ssyncset.done $0x0  }
0x126: {  	[sflag:s15] =	ssyncadd.s32 $0xFFFFF800  }
0x127: {  	_ =	swait.ge [sflag:s15], $0x800  }
0x128: {  	[sflag:s15] =	ssyncset.done $0x0  }
0x129: {  	[sflag:s15] =	ssyncadd.s32 $0xFFFFF800  }
0x12a: {  	_ =	swait.ge [sflag:s15], $0x800  }
0x12b: {  	[sflag:s15] =	ssyncset.done $0x0  }
0x12c: {  	[sflag:s15] =	ssyncadd.s32 $0xFFFFF800  }
0x12d: {  	_ =	swait.ge [sflag:s15], $0x800  }
0x12e: {  	[sflag:s15] =	ssyncset.done $0x0  }
0x12f: {  	[sflag:s15] =	ssyncadd.s32 $0xFFFFF800  }
0x130: {  	_ =	swait.ge [sflag:s15], $0x800  }
0x131: {  	[sflag:s15] =	ssyncset.done $0x0  }
0x132: {  	[sflag:s15] =	ssyncadd.s32 $0xFFFFF800  }
0x133: {  	_ =	swait.ge [sflag:s15], $0x800  }
0x134: {  	[sflag:s15] =	ssyncset.done $0x0  }
0x135: {  	[sflag:s15] =	ssyncadd.s32 $0xFFFFF800  }
0x136: {  	_ =	swait.ge [sflag:s15], $0x800  }
0x137: {  	[sflag:s15] =	ssyncset.done $0x0  }
0x138: {  	p2 =	sne.s32 s20, $0x9000;
	[sflag:s15] =	ssyncadd.s32 $0xFFFFF800  }
.Ltmp1:
0x139: {  	_ =	swait.ge [sflag:s15], $0x800;
	(pc) =	sbr.rel @p2 .LBB2_4-.Ltmp1, $4  }
0x13a: {  	[sflag:s15] =	ssyncset.done $0x0  }
0x13b: {  	[sflag:s15] =	ssyncadd.s32 $0xFFFFF800  }
0x13c: {  	_ =	swait.ge [sflag:s15], $0x800  }
0x13d: {  	s20 =	sadd.s32 $0xC00, s20;
	s7 =	rddreg [dreg:$0x8];
	[sflag:s15] =	ssyncset.done $0x0  }
0x13e: {  	s8 =	sadd.s32 $0x600, s6  }
0x13f: {  	[sflag:s15] =	ssyncadd.s32 $0xFFFFF800;
	s6 =	sadd.s32 s8, s7  }
0x140: {  	[tilespmem:s25], [sflag:$0x1] =	stream.linear.gather [hbm4b:s6+s5], $0x800, $0x38;
	[tilespmem:$0x14F00] =	vst v63  }
0x141: {  	s20 =	rddreg [dreg:$0x5];
	s6 =	sshra.s32 s19, $0x2  }
0x142: {  	[tilespmem:s28], [sflag:$0x2] =	stream.indirect.gather [spmem:s4], $0x10, s6, s26, $0xb8;
	[tilespmem:$0x14F00] =	vst v63  }
0x143: {  	s7 =	sadd.s32 s8, s20  }
0x144: {  	[tilespmem:s29], [sflag:$0x1] =	stream.linear.gather [hbm4b:s7+s5], $0x800, $0x38;
	[tilespmem:$0x14F00] =	vst v63  }
0x145: {  	s22 =	sadd.s32 $0x80, s6  }
0x146: {  	[tilespmem:s30], [sflag:$0x2] =	stream.indirect.gather [spmem:s4], $0x10, s22, s26, $0xb8;
	[tilespmem:$0x14F00] =	vst v63  }
0x147: {  	s19 =	sadd.s32 s8, s18  }
0x148: {  	[tilespmem:s31], [sflag:$0x1] =	stream.linear.gather [hbm4b:s19+s5], $0x800, $0x38;
	[tilespmem:$0x14F00] =	vst v63  }
0x149: {  	s20 =	rddreg [dreg:$0x7];
	s22 =	sadd.s32 $0x100, s6  }
0x14a: {  	[tilespmem:s1], [sflag:$0x2] =	stream.indirect.gather [spmem:s4], $0x10, s22, s26, $0xb8;
	[tilespmem:$0x14F00] =	vst v63  }
0x14b: {  	s20 =	sadd.s32 s8, s20  }
0x14c: {  	[tilespmem:s0], [sflag:$0x1] =	stream.linear.gather [hbm4b:s20+s5], $0x800, $0x38;
	[tilespmem:$0x14F00] =	vst v63  }
0x14d: {  	s22 =	sadd.s32 $0x180, s6  }
0x14e: {  	[tilespmem:s24], [sflag:$0x2] =	stream.indirect.gather [spmem:s4], $0x10, s22, s26, $0xb8;
	[tilespmem:$0x14F00] =	vst v63  }
0x14f: {  	s19 =	sadd.s32 s8, s17  }
0x150: {  	[tilespmem:s9], [sflag:$0x1] =	stream.linear.gather [hbm4b:s19+s5], $0x800, $0x38;
	[tilespmem:$0x14F00] =	vst v63  }
0x151: {  	s20 =	rddreg [dreg:$0x6];
	s22 =	sadd.s32 $0x200, s6  }
0x152: {  	[tilespmem:s10], [sflag:$0x2] =	stream.indirect.gather [spmem:s4], $0x10, s22, s26, $0xb8;
	[tilespmem:$0x14F00] =	vst v63  }
0x153: {  	s8 =	sadd.s32 s8, s20  }
0x154: {  	[tilespmem:s11], [sflag:$0x1] =	stream.linear.gather [hbm4b:s8+s5], $0x800, $0x38;
	[tilespmem:$0x14F00] =	vst v63  }
0x155: {  	s19 =	sadd.s32 $0x280, s6  }
0x156: {  	[tilespmem:s12], [sflag:$0x2] =	stream.indirect.gather [spmem:s4], $0x10, s19, s26, $0xb8;
	[tilespmem:$0x14F00] =	vst v63  }
0x157: {  	_ =	swait.ge [sflag:s13], $0x800  }
0x158: {  	[sflag:s13] =	ssyncset.done $0x0  }
0x159: {  	[sflag:s13] =	ssyncadd.s32 $0xFFFFF800  }
0x15a: {  	_ =	swait.ge [sflag:s14], $0x800  }
0x15b: {  	[sflag:s14] =	ssyncset.done $0x0  }
0x15c: {  	[sflag:s14] =	ssyncadd.s32 $0xFFFFF800  }
0x15d: {  	_ =	swait.ge [sflag:s13], $0x800  }
0x15e: {  	[sflag:s13] =	ssyncset.done $0x0  }
0x15f: {  	[sflag:s13] =	ssyncadd.s32 $0xFFFFF800  }
0x160: {  	_ =	swait.ge [sflag:s14], $0x800  }
0x161: {  	[sflag:s14] =	ssyncset.done $0x0  }
0x162: {  	[sflag:s14] =	ssyncadd.s32 $0xFFFFF800  }
0x163: {  	_ =	swait.ge [sflag:s13], $0x800  }
0x164: {  	[sflag:s13] =	ssyncset.done $0x0  }
0x165: {  	[sflag:s13] =	ssyncadd.s32 $0xFFFFF800  }
0x166: {  	_ =	swait.ge [sflag:s14], $0x800  }
0x167: {  	[sflag:s14] =	ssyncset.done $0x0  }
0x168: {  	[sflag:s14] =	ssyncadd.s32 $0xFFFFF800  }
0x169: {  	_ =	swait.ge [sflag:s13], $0x800  }
0x16a: {  	[sflag:s13] =	ssyncset.done $0x0  }
0x16b: {  	[sflag:s13] =	ssyncadd.s32 $0xFFFFF800  }
0x16c: {  	_ =	swait.ge [sflag:s14], $0x800  }
0x16d: {  	[sflag:s14] =	ssyncset.done $0x0  }
0x16e: {  	[sflag:s14] =	ssyncadd.s32 $0xFFFFF800  }
0x16f: {  	_ =	swait.ge [sflag:s13], $0x800  }
0x170: {  	[sflag:s13] =	ssyncset.done $0x0  }
0x171: {  	[sflag:s13] =	ssyncadd.s32 $0xFFFFF800  }
0x172: {  	_ =	swait.ge [sflag:s14], $0x800  }
0x173: {  	[sflag:s14] =	ssyncset.done $0x0  }
0x174: {  	[sflag:s14] =	ssyncadd.s32 $0xFFFFF800  }
0x175: {  	_ =	swait.ge [sflag:s13], $0x800  }
0x176: {  	[sflag:s13] =	ssyncset.done $0x0  }
0x177: {  	[sflag:s13] =	ssyncadd.s32 $0xFFFFF800  }
0x178: {  	_ =	swait.ge [sflag:s14], $0x800  }
0x179: {  	[sflag:s14] =	ssyncset.done $0x0  }
0x17a: {  	s20 =	sadd.s32 $0x2780, s6;
	[sflag:s14] =	ssyncadd.s32 $0xFFFFF800  }
0x17b: {  	[spmem:s3] =	stream.indirect.scatter.add.f32 [tilespmem:s25], [sflag:$0x3], $0x10, s20, s26, $0xb8;
	[tilespmem:$0x14F00] =	vst v63  }
0x17c: {  	_ = 	snop  }
0x17d: {  	[spmem:s2] =	stream.indirect.scatter.add.f32 [tilespmem:s28], [sflag:$0x3], $0x10, s20, s26, $0xb8;
	[tilespmem:$0x14F00] =	vst v63  }
0x17e: {  	s22 =	sadd.s32 $0x2800, s6  }
0x17f: {  	[spmem:s3] =	stream.indirect.scatter.add.f32 [tilespmem:s29], [sflag:$0x3], $0x10, s22, s26, $0xb8;
	[tilespmem:$0x14F00] =	vst v63  }
0x180: {  	_ = 	snop  }
0x181: {  	[spmem:s2] =	stream.indirect.scatter.add.f32 [tilespmem:s30], [sflag:$0x3], $0x10, s22, s26, $0xb8;
	[tilespmem:$0x14F00] =	vst v63  }
0x182: {  	s8 =	sadd.s32 $0x2880, s6  }
0x183: {  	[spmem:s3] =	stream.indirect.scatter.add.f32 [tilespmem:s31], [sflag:$0x3], $0x10, s8, s26, $0xb8;
	[tilespmem:$0x14F00] =	vst v63  }
0x184: {  	_ = 	snop  }
0x185: {  	[spmem:s2] =	stream.indirect.scatter.add.f32 [tilespmem:s1], [sflag:$0x3], $0x10, s8, s26, $0xb8;
	[tilespmem:$0x14F00] =	vst v63  }
0x186: {  	s19 =	sadd.s32 $0x2900, s6  }
0x187: {  	[spmem:s3] =	stream.indirect.scatter.add.f32 [tilespmem:s0], [sflag:$0x3], $0x10, s19, s26, $0xb8;
	[tilespmem:$0x14F00] =	vst v63  }
0x188: {  	_ = 	snop  }
0x189: {  	[spmem:s2] =	stream.indirect.scatter.add.f32 [tilespmem:s24], [sflag:$0x3], $0x10, s19, s26, $0xb8;
	[tilespmem:$0x14F00] =	vst v63  }
0x18a: {  	s20 =	sadd.s32 $0x2980, s6  }
0x18b: {  	[spmem:s3] =	stream.indirect.scatter.add.f32 [tilespmem:s9], [sflag:$0x3], $0x10, s20, s26, $0xb8;
	[tilespmem:$0x14F00] =	vst v63  }
0x18c: {  	_ = 	snop  }
0x18d: {  	[spmem:s2] =	stream.indirect.scatter.add.f32 [tilespmem:s10], [sflag:$0x3], $0x10, s20, s26, $0xb8;
	[tilespmem:$0x14F00] =	vst v63  }
0x18e: {  	s6 =	sadd.s32 $0x2A00, s6  }
0x18f: {  	[spmem:s3] =	stream.indirect.scatter.add.f32 [tilespmem:s11], [sflag:$0x3], $0x10, s6, s26, $0xb8;
	[tilespmem:$0x14F00] =	vst v63  }
0x190: {  	_ = 	snop  }
0x191: {  	[spmem:s2] =	stream.indirect.scatter.add.f32 [tilespmem:s12], [sflag:$0x3], $0x10, s6, s26, $0xb8;
	[tilespmem:$0x14F00] =	vst v63  }
0x192: {  	_ =	swait.ge [sflag:s15], $0x800  }
0x193: {  	[sflag:s15] =	ssyncset.done $0x0  }
0x194: {  	[sflag:s15] =	ssyncadd.s32 $0xFFFFF800  }
0x195: {  	_ =	swait.ge [sflag:s15], $0x800  }
0x196: {  	[sflag:s15] =	ssyncset.done $0x0  }
0x197: {  	[sflag:s15] =	ssyncadd.s32 $0xFFFFF800  }
0x198: {  	_ =	swait.ge [sflag:s15], $0x800  }
0x199: {  	[sflag:s15] =	ssyncset.done $0x0  }
0x19a: {  	[sflag:s15] =	ssyncadd.s32 $0xFFFFF800  }
0x19b: {  	_ =	swait.ge [sflag:s15], $0x800  }
0x19c: {  	[sflag:s15] =	ssyncset.done $0x0  }
0x19d: {  	[sflag:s15] =	ssyncadd.s32 $0xFFFFF800  }
0x19e: {  	_ =	swait.ge [sflag:s15], $0x800  }
0x19f: {  	[sflag:s15] =	ssyncset.done $0x0  }
0x1a0: {  	[sflag:s15] =	ssyncadd.s32 $0xFFFFF800  }
0x1a1: {  	_ =	swait.ge [sflag:s15], $0x800  }
0x1a2: {  	[sflag:s15] =	ssyncset.done $0x0  }
0x1a3: {  	[sflag:s15] =	ssyncadd.s32 $0xFFFFF800  }
0x1a4: {  	_ =	swait.ge [sflag:s15], $0x800  }
0x1a5: {  	[sflag:s15] =	ssyncset.done $0x0  }
0x1a6: {  	[sflag:s15] =	ssyncadd.s32 $0xFFFFF800  }
0x1a7: {  	_ =	swait.ge [sflag:s15], $0x800  }
0x1a8: {  	[sflag:s15] =	ssyncset.done $0x0  }
0x1a9: {  	[sflag:s15] =	ssyncadd.s32 $0xFFFFF800  }
0x1aa: {  	_ =	swait.ge [sflag:s15], $0x800  }
0x1ab: {  	[sflag:s15] =	ssyncset.done $0x0  }
0x1ac: {  	[sflag:s15] =	ssyncadd.s32 $0xFFFFF800  }
0x1ad: {  	_ =	swait.ge [sflag:s15], $0x800  }
0x1ae: {  	[sflag:s15] =	ssyncset.done $0x0  }
0x1af: {  	[sflag:s15] =	ssyncadd.s32 $0xFFFFF800  }
0x1b0: {  	_ =	swait.ge [sflag:s15], $0x800  }
0x1b1: {  	[sflag:s15] =	ssyncset.done $0x0  }
0x1b2: {  	[sflag:s15] =	ssyncadd.s32 $0xFFFFF800  }
0x1b3: {  	_ =	swait.ge [sflag:s15], $0x800  }
0x1b4: {  	s7 =	simm.s32 @!p1 $0x4F00;
	[sflag:s15] =	ssyncset.done $0x0  }
0x1b5: {  	s6 =	simm.s32 @!p1 $0x0;
	s8 =	rddreg [dreg:$0x12];
	[sflag:s15] =	ssyncadd.s32 $0xFFFFF800  }
0x1b6: {  	[tilespmem:s7], [sflag:$0x1] =	stream.linear.gather @!p1 [hbm4b:s8+s6], $0x800, $0x38;
	[tilespmem:$0x14F00] =	vst v63  }
0x1b7: {  	s19 =	simm.s32 @!p1 $0x7F00;
	s6 =	simm.s32 @!p1 $0x80;
	s8 =	simm.s32 @!p1 $0x2700  }
0x1b8: {  	[tilespmem:s19], [sflag:$0x2] =	stream.indirect.gather @!p1 [spmem:s4], $0x10, s8, s6, $0xb8;
	[tilespmem:$0x14F00] =	vst v63  }
0x1b9: {  	s8 =	simm.s32 @!p1 $0x1  }
0x1ba: {  	_ =	swait.ge @!p1 [sflag:s8], $0x800  }
0x1bb: {  	[sflag:s8] =	ssyncset.done @!p1 $0x0  }
0x1bc: {  	[sflag:s8] =	ssyncadd.s32 @!p1 $0xFFFFF800;
	s8 =	simm.s32 @!p1 $0x2  }
0x1bd: {  	_ =	swait.ge @!p1 [sflag:s8], $0x800  }
0x1be: {  	[sflag:s8] =	ssyncset.done @!p1 $0x0  }
0x1bf: {  	[sflag:s8] =	ssyncadd.s32 @!p1 $0xFFFFF800;
	s8 =	simm.s32 @!p1 $0x4E80  }
0x1c0: {  	[spmem:s3] =	stream.indirect.scatter.add.f32 @!p1 [tilespmem:s7], [sflag:$0x3], $0x10, s8, s6, $0xb8;
	[tilespmem:$0x14F00] =	vst v63  }
0x1c1: {  	s7 =	simm.s32 @!p1 $0x3  }
0x1c2: {  	_ =	swait.ge @!p1 [sflag:s7], $0x800  }
0x1c3: {  	[sflag:s7] =	ssyncset.done @!p1 $0x0  }
0x1c4: {  	[sflag:s7] =	ssyncadd.s32 @!p1 $0xFFFFF800  }
0x1c5: {  	[spmem:s2] =	stream.indirect.scatter.add.f32 @!p1 [tilespmem:s19], [sflag:$0x3], $0x10, s8, s6, $0xb8;
	[tilespmem:$0x14F00] =	vst v63  }
0x1c6: {  	_ =	swait.ge @!p1 [sflag:s7], $0x800  }
0x1c7: {  	[sflag:s7] =	ssyncset.done @!p1 $0x0  }
0x1c8: {  	[sflag:s7] =	ssyncadd.s32 @!p1 $0xFFFFF800  }
0x1c9: {  	[bflag:$0x0] =	sbarrier.arrive $0xFFFF  }
0x1ca: {  	s20 =	simm.s32 $0xAF00;
	s8 =	rddreg [dreg:$0x9]  }
0x1cb: {  	[tilespmem:s20], [sflag:$0x4] =	stream.linear.gather [spmem:s8], $0x2800, $0x38;
	[tilespmem:$0x14F00] =	vst v63  }
0x1cc: {  	_ =	swait.ge [sflag:s23], $0x2800  }
0x1cd: {  	[sflag:s23] =	ssyncset.done $0x0  }
0x1ce: {  	s22 =	rddreg [dreg:$0x13];
	[sflag:s23] =	ssyncadd.s32 $0xFFFFD800  }
0x1cf: {  	[hbm4b:s22+s5] =	stream.linear.scatter [tilespmem:s20], [sflag:$0x4], $0x2800, $0x38;
	[tilespmem:$0x14F00] =	vst v63  }
0x1d0: {  	_ =	swait.ge [sflag:s23], $0x2800  }
0x1d1: {  	[sflag:s23] =	ssyncset.done $0x0  }
0x1d2: {  	s19 =	rddreg [dreg:$0xa];
	[sflag:s23] =	ssyncadd.s32 $0xFFFFD800  }
0x1d3: {  	[tilespmem:s20], [sflag:$0x4] =	stream.linear.gather [spmem:s19], $0x2800, $0x38;
	[tilespmem:$0x14F00] =	vst v63  }
0x1d4: {  	_ =	swait.ge [sflag:s23], $0x2800  }
0x1d5: {  	[sflag:s23] =	ssyncset.done $0x0  }
0x1d6: {  	s7 =	rddreg [dreg:$0x14];
	[sflag:s23] =	ssyncadd.s32 $0xFFFFD800  }
0x1d7: {  	[hbm4b:s7+s5] =	stream.linear.scatter [tilespmem:s20], [sflag:$0x4], $0x2800, $0x38;
	[tilespmem:$0x14F00] =	vst v63  }
0x1d8: {  	_ =	swait.ge [sflag:s23], $0x2800  }
0x1d9: {  	s16 =	sadd.s32 $0x1, s16;
	s22 =	rddreg [dreg:$0x15]  }
0x1da: {  	p2 =	sne.s32 s16, s22  }
.Ltmp2:
0x1db: {  	_ = 	snop;
	(pc) =	sbr.rel @p2 .LBB2_1-.Ltmp2, $3  }
0x1dc: {  	_ =	sdelay $0x1  }
0x1dd: {  	[sflag:s23] =	ssyncset.done $0x0  }
0x1de: {  	[sflag:s23] =	ssyncadd.s32 $0xFFFFD800  }
0x1df: {  	_ =	sfence.sel $0x180000  }
0x1e0: {  	[bflag:$0x0] =	sbarrier.arrive $0xFFFF  }
0x1e1: {  	_ =	strace $0x90000047  }
0x1e2: {  	s0 =	stileid.u32;
	[bflag:$0x2] =	sbarrier.arrive $0xFFFF  }
0x1e3: {  	p0 =	sne.s32 s0, $0x0;
	s0 =	rddreg [dreg:$0x4]  }
0x1e4: {  	s0 =	sadd.s32 @!p0 $0x100000, s0  }
0x1e5: {  	[sflag:s0] =	ssyncadd.tile.s32 @!p0 $0x1;
	_ =	shalt  }
.Lfunc_end2:
_tile_overlayer_lowered:
.L_overlay_start_2:
0x1e6: {  	(tag) =	ssettag $0x2  }
0x1e7: {  	s0 =	rddreg [dreg:$0x0];
	s2 =	stileid.u32  }
0x1e8: {  	s1 =	rddreg [dreg:$0x1];
	p0 =	sne.s32 s2, $0x0  }
0x1e9: {  	s3 =	rddreg [dreg:$0x2];
	[bflag:$0x3] =	sbarrier.arrive $0xFFFF;
	s2 =	simm.s32 @!p0 $0x1C04  }
0x1ea: {  	[timem:s3], [sflag:s2] =	dma.local @!p0 [hbm:s0], s1  }
0x1eb: {  	s0 =	simm.s32 @!p0 $0x4  }
0x1ec: {  	_ =	swait.ge @!p0 [sflag:s0], s1  }
0x1ed: {  	s1 =	ssub.s32 @!p0 $0x0, s1;
	[sflag:s0] =	ssyncset.done @!p0 $0x0  }
0x1ee: {  	[sflag:s0] =	ssyncadd.s32 @!p0 s1  }
0x1ef: {  	[bflag:$0x3] =	sbarrier.arrive $0xFFFF  }
0x1f0: {  	_ =	shalt  }

</sc_bundles>
